<compile_context>
chip_gen: v7x
topology: tpu7x:2x2x1
jax: 0.10.2.dev20260603
libtpu: 0.0.44.dev20260713+nightly
codegen_flags: <defaults>
</compile_context>

<pallas_src>
import jax
import jax.numpy as jnp
from jax import lax
from jax.experimental import pallas as pl
from jax.experimental.pallas import tpu as pltpu
from jax.experimental.pallas import tpu_sc as plsc

N_NODES = 10000
N_EDGES = 320000
FDIM = 128

NC = 2
NS = 16
NW = NC * NS
EPW = N_EDGES // NW
CHUNK = 80
NCHUNK = EPW // CHUNK
N_ACC = 10240
ROWS_PER_TILE = N_ACC // NS
ZROWS = 8
LANES = 16

_MESH = plsc.VectorSubcoreMesh(
    core_axis_name="c", subcore_axis_name="s", num_cores=NC, num_subcores=NS
)


def _sc_aggregate_build():
    scratch = [
        pltpu.VMEM((NCHUNK, CHUNK), jnp.int32),
        pltpu.VMEM((NCHUNK, CHUNK), jnp.int32),
        pltpu.VMEM((CHUNK, FDIM), jnp.float32),
        pltpu.VMEM((ZROWS, FDIM), jnp.float32),
        pltpu.VMEM_SHARED((N_ACC, FDIM), jnp.float32),
        pltpu.SemaphoreType.DMA,
    ]

    def body(h_hbm, src_hbm, dst_hbm, out_agg,
             srcv, dstv, rows0, zbuf, aggsh, sem0):
        cid = lax.axis_index("c")
        sid = lax.axis_index("s")
        wid = sid * NC + cid

        zf = jnp.zeros((LANES,), jnp.float32)
        per_row = FDIM // LANES

        def zero_zbuf(t, carry):
            zbuf[t // per_row, pl.ds((t % per_row) * LANES, LANES)] = zf
            return carry

        lax.fori_loop(0, ZROWS * per_row, zero_zbuf, 0)

        base = sid * ROWS_PER_TILE

        def zrow(r, carry):
            off = pl.multiple_of(base + r * ZROWS, ZROWS)
            pltpu.sync_copy(zbuf, aggsh.at[pl.ds(off, ZROWS)])
            return carry

        lax.fori_loop(0, ROWS_PER_TILE // ZROWS, zrow, 0)

        pltpu.sync_copy(src_hbm.at[wid], srcv)
        pltpu.sync_copy(dst_hbm.at[wid], dstv)

        plsc.subcore_barrier()

        def chunk_body(k, carry):
            pltpu.async_copy(h_hbm.at[srcv.at[k]], rows0, sem0).wait()
            pltpu.sync_copy(rows0, aggsh.at[dstv.at[k]], add=True)
            return carry

        lax.fori_loop(0, NCHUNK, chunk_body, 0)

        plsc.subcore_barrier()

        pltpu.sync_copy(
            aggsh.at[pl.ds(base, ROWS_PER_TILE)],
            out_agg.at[cid, pl.ds(base, ROWS_PER_TILE)],
        )

    return pl.kernel(
        body,
        out_type=jax.ShapeDtypeStruct((NC, N_ACC, FDIM), jnp.float32),
        mesh=_MESH,
        scratch_types=scratch,
    )


_sc_aggregate = _sc_aggregate_build()


def _sc_count_build():
    scratch = [
        pltpu.VMEM((EPW // 80, 80), jnp.int32),
        pltpu.VMEM((N_ACC,), jnp.float32),
    ]

    def body(dst_hbm, out_cnt, dstv, cntv):
        cid = lax.axis_index("c")
        sid = lax.axis_index("s")
        wid = sid * NC + cid

        zf = jnp.zeros((LANES,), jnp.float32)

        def zero_cntv(t, carry):
            cntv[pl.ds(t * LANES, LANES)] = zf
            return carry

        lax.fori_loop(0, N_ACC // LANES, zero_cntv, 0)
        pltpu.sync_copy(dst_hbm.at[wid], dstv)

        def cnt_body(t, carry):
            d = dstv[t // (80 // LANES),
                     pl.ds((t % (80 // LANES)) * LANES, LANES)]
            rcount, last = plsc.scan_count(d)
            plsc.addupdate_scatter(
                cntv, [d], rcount.astype(jnp.float32), mask=last
            )
            return carry

        lax.fori_loop(0, EPW // LANES, cnt_body, 0)

        def cnt_wb(r, carry):
            off = pl.multiple_of(r * 1024, 8)
            pltpu.sync_copy(cntv.at[pl.ds(off, 1024)],
                            out_cnt.at[wid, pl.ds(off, 1024)])
            return carry

        lax.fori_loop(0, N_ACC // 1024, cnt_wb, 0)

    return pl.kernel(
        body,
        out_type=jax.ShapeDtypeStruct((NW, N_ACC), jnp.float32),
        mesh=_MESH,
        scratch_types=scratch,
        compiler_params=pltpu.CompilerParams(needs_layout_passes=False),
    )


_sc_count = _sc_count_build()

BM = 1000


def _dense(x, w, b):
    m, k = x.shape
    o = w.shape[1]

    def body(x_ref, w_ref, b_ref, o_ref):
        o_ref[...] = (
            jnp.dot(x_ref[...], w_ref[...], preferred_element_type=jnp.float32)
            + b_ref[...]
        )

    return pl.pallas_call(
        body,
        grid=(m // BM,),
        in_specs=[
            pl.BlockSpec((BM, k), lambda i: (i, 0)),
            pl.BlockSpec((k, o), lambda i: (0, 0)),
            pl.BlockSpec((1, o), lambda i: (0, 0)),
        ],
        out_specs=pl.BlockSpec((BM, o), lambda i: (i, 0)),
        out_shape=jax.ShapeDtypeStruct((m, o), jnp.float32),
    )(x, w, b.reshape(1, o))


def _combine(aggp, cntp, h, wn, ws, bh, wo=None, bo=None):
    project = wo is not None

    def body(a_ref, c_ref, h_ref, wn_ref, ws_ref, b_ref, *rest):
        o_ref = rest[-1]
        ones_w = jnp.ones((NW, 1), jnp.float32)
        cnt = jnp.dot(c_ref[...], ones_w, preferred_element_type=jnp.float32)
        agg = (a_ref[0] + a_ref[1]) / jnp.maximum(cnt, 1.0)
        y = (
            jnp.dot(agg, wn_ref[...], preferred_element_type=jnp.float32)
            + jnp.dot(h_ref[...], ws_ref[...], preferred_element_type=jnp.float32)
            + b_ref[...]
        )
        t = jnp.maximum(y, 0.0)
        if project:
            wo_ref, bo_ref = rest[0], rest[1]
            t = (
                jnp.dot(t, wo_ref[...], preferred_element_type=jnp.float32)
                + bo_ref[...]
            )
        o_ref[...] = t

    in_specs = [
        pl.BlockSpec((NC, BM, FDIM), lambda i: (0, i, 0)),
        pl.BlockSpec((BM, NW), lambda i: (i, 0)),
        pl.BlockSpec((BM, FDIM), lambda i: (i, 0)),
        pl.BlockSpec((FDIM, FDIM), lambda i: (0, 0)),
        pl.BlockSpec((FDIM, FDIM), lambda i: (0, 0)),
        pl.BlockSpec((1, FDIM), lambda i: (0, 0)),
    ]
    args = [aggp, cntp, h, wn, ws, bh.reshape(1, FDIM)]
    odim = FDIM
    if project:
        odim = wo.shape[1]
        in_specs += [
            pl.BlockSpec((FDIM, odim), lambda i: (0, 0)),
            pl.BlockSpec((1, odim), lambda i: (0, 0)),
        ]
        args += [wo, bo.reshape(1, odim)]

    return pl.pallas_call(
        body,
        grid=(N_NODES // BM,),
        in_specs=in_specs,
        out_specs=pl.BlockSpec((BM, odim), lambda i: (i, 0)),
        out_shape=jax.ShapeDtypeStruct((N_NODES, odim), jnp.float32),
    )(*args)


def kernel(x, edge_index, W_in, b_in, W_neigh, W_self, b_hidden, W_out, b_out):
    ei = edge_index.astype(jnp.int32)
    dst3d = ei[0].reshape(NW, NCHUNK, CHUNK)
    src3d = ei[1].reshape(NW, NCHUNK, CHUNK)

    h = _dense(x, W_in, b_in)
    cntp = _sc_count(dst3d)
    cnt_t = cntp.T
    aggp = _sc_aggregate(h, src3d, dst3d)
    h = _combine(aggp, cnt_t, h, W_neigh[0], W_self[0], b_hidden[0])
    aggp = _sc_aggregate(h, src3d, dst3d)
    return _combine(aggp, cnt_t, h, W_neigh[1], W_self[1], b_hidden[1],
                    W_out, b_out)

# --- scband reference (transcript-rebuilt; emitter-appended) ---
"""Pipeline reference for scband-graph-neural-network-1683627180352 (READ-ONLY COPY).

The authoritative reference and input builder live on the scoring server;
editing this copy changes nothing except your own understanding.
"""

import jax, jax.numpy as jnp
import numpy as np

N = 10000
E = 320000
D = 128
H = 128
O = 128
L = 2


def setup_inputs(seed: int = 0) -> dict:
    key = jax.random.key(seed)
    ks = jax.random.split(key, 10)
    x = jax.random.normal(ks[0], (N, D), dtype=jnp.float32)
    edge_index = jax.random.randint(ks[1], (2, E), 0, N)
    W_in = jax.random.normal(ks[2], (D, H), dtype=jnp.float32) * (1.0 / np.sqrt(D))
    b_in = jnp.zeros((H,), dtype=jnp.float32)
    W_neigh = jax.random.normal(ks[3], (L, H, H), dtype=jnp.float32) * (1.0 / np.sqrt(H))
    W_self = jax.random.normal(ks[4], (L, H, H), dtype=jnp.float32) * (1.0 / np.sqrt(H))
    b_hidden = jnp.zeros((L, H), dtype=jnp.float32)
    W_out = jax.random.normal(ks[5], (H, O), dtype=jnp.float32) * (1.0 / np.sqrt(H))
    b_out = jnp.zeros((O,), dtype=jnp.float32)
    return {
        "x": x,
        "edge_index": edge_index,
        "W_in": W_in,
        "b_in": b_in,
        "W_neigh": W_neigh,
        "W_self": W_self,
        "b_hidden": b_hidden,
        "W_out": W_out,
        "b_out": b_out,
    }


def reference(x, edge_index, W_in, b_in, W_neigh, W_self, b_hidden, W_out, b_out):
    # initialize(): input projection
    h = x @ W_in + b_in
    # aggregated_neighbors[edge[0]].append(x[edge[1]]) => dst = edge_index[0], src = edge_index[1]
    dst = edge_index[0]
    src = edge_index[1]
    for l in range(L):
        # gather source node features along each edge
        msgs = jnp.take(h, src, axis=0)
        # aggregate(): mean over each node's gathered neighbor messages
        agg_sum = jax.ops.segment_sum(msgs, dst, num_segments=N)
        cnt = jax.ops.segment_sum(jnp.ones((E, 1), dtype=h.dtype), dst, num_segments=N)
        agg = agg_sum / jnp.maximum(cnt, 1.0)
        # combine(): GraphSAGE-style combine of aggregated neighbors and self features
        h = jax.nn.relu(agg @ W_neigh[l] + h @ W_self[l] + b_hidden[l])
    # output(): final projection
    return h @ W_out + b_out

if __name__ == "__main__":
    import jax
    _d = setup_inputs()
    print(jax.jit(kernel)(*tuple(_d.values())))

</pallas_src>

<mosaic_0001>
#map = affine_map<(d0, d1) -> (0, 0, 0)>
#map1 = affine_map<(d0, d1) -> (0, 0)>
module attributes {stable_mosaic.version = 14 : i64} {
  func.func @body(%arg0: i32, %arg1: i32, %arg2: memref<32x125x80xi32, #tpu.memory_space<hbm>>, %arg3: memref<32x10240xf32, #tpu.memory_space<hbm>>, %arg4: memref<125x80xi32, #tpu.memory_space<vmem>>, %arg5: memref<10240xf32, #tpu.memory_space<vmem>>) attributes {dimension_semantics = [#tpu.dimension_semantics<core_parallel>, #tpu.dimension_semantics<subcore_parallel>], iteration_bounds = array<i64: 2, 16>, scalar_prefetch = 0 : i64, scratch_operands = 2 : i64, tpu.core_type = #tpu.core_type<sc_vector_subcore>, window_params = [{transform_indices = #map}, {transform_indices = #map1}]} {
    %mul3A = arith.constant 2 : i32
    %mul3A_0 = arith.muli %arg1, %mul3A : i32
    %add3A = arith.addi %mul3A_0, %arg0 : i32
    %broadcast_in_dim3A = arith.constant 0.000000e+00 : f32
    %broadcast_in_dim3A_1 = vector.broadcast %broadcast_in_dim3A : f32 to vector<16xf32>
    %scan3A = arith.constant 0 : i32
    %scan3A_2 = arith.constant 0 : i32
    %scan3A_3 = arith.constant 640 : i32
    %scan3A_4 = arith.addi %scan3A_2, %scan3A_3 : i32
    %scan3A_5 = arith.constant 1 : i32
    scf.for %scan3A_19 = %scan3A_2 to %scan3A_4 step %scan3A_5  : i32 {
      %mul3A_20 = arith.constant 16 : i32
      %mul3A_21 = arith.muli %scan3A_19, %mul3A_20 : i32
      %swap3A = arith.index_cast %mul3A_21 : i32 to index
      %swap3A_22 = tpu.vector_load %arg5[%swap3A] {strides = array<i32>} : memref<10240xf32, #tpu.memory_space<vmem>>, vector<16xf32>,
      tpu.vector_store %arg5[%swap3A], %broadcast_in_dim3A_1 {strides = array<i32>} : memref<10240xf32, #tpu.memory_space<vmem>>, vector<16xf32>,
    }
    %scan3A_6 = arith.constant 640 : i32
    "tpu.region"() ({
      %run_scoped3A = tpu.sem_alloc : memref<!tpu.dma_semaphore, #tpu.memory_space<semaphore_mem>>
      %dma_start3A = arith.constant 0 : i32
      %dma_start3A_19 = arith.constant 0 : i32
      %dma_start3A_20 = tpu.memref_slice %arg2[%add3A, %dma_start3A, %dma_start3A_19] : memref<32x125x80xi32, #tpu.memory_space<hbm>> -> memref<1x125x80xi32, #tpu.memory_space<hbm>>
      %dma_start3A_21 = tpu.memref_squeeze %dma_start3A_20 : memref<1x125x80xi32, #tpu.memory_space<hbm>> -> memref<125x80xi32, #tpu.memory_space<hbm>>
      %dma_start3A_22 = arith.constant 0 : i32
      %dma_start3A_23 = arith.constant 0 : i32
      %dma_start3A_24 = tpu.memref_slice %arg2[%add3A, %dma_start3A_22, %dma_start3A_23] : memref<32x125x80xi32, #tpu.memory_space<hbm>> -> memref<1x125x80xi32, #tpu.memory_space<hbm>>
      %dma_start3A_25 = tpu.memref_squeeze %dma_start3A_24 : memref<1x125x80xi32, #tpu.memory_space<hbm>> -> memref<125x80xi32, #tpu.memory_space<hbm>>
      tpu.enqueue_dma source(%dma_start3A_25 : memref<125x80xi32, #tpu.memory_space<hbm>>) target(%arg4 : memref<125x80xi32, #tpu.memory_space<vmem>>) target_semaphore(%run_scoped3A : memref<!tpu.dma_semaphore, #tpu.memory_space<semaphore_mem>>)
      %dma_wait3A = arith.constant 0 : i32
      %dma_wait3A_26 = arith.constant 0 : i32
      %dma_wait3A_27 = tpu.memref_slice %arg2[%add3A, %dma_wait3A, %dma_wait3A_26] : memref<32x125x80xi32, #tpu.memory_space<hbm>> -> memref<1x125x80xi32, #tpu.memory_space<hbm>>
      %dma_wait3A_28 = tpu.memref_squeeze %dma_wait3A_27 : memref<1x125x80xi32, #tpu.memory_space<hbm>> -> memref<125x80xi32, #tpu.memory_space<hbm>>
      %dma_wait3A_29 = arith.constant 0 : i32
      %dma_wait3A_30 = arith.constant 0 : i32
      %dma_wait3A_31 = tpu.memref_slice %arg2[%add3A, %dma_wait3A_29, %dma_wait3A_30] : memref<32x125x80xi32, #tpu.memory_space<hbm>> -> memref<1x125x80xi32, #tpu.memory_space<hbm>>
      %dma_wait3A_32 = tpu.memref_squeeze %dma_wait3A_31 : memref<1x125x80xi32, #tpu.memory_space<hbm>> -> memref<125x80xi32, #tpu.memory_space<hbm>>
      tpu.wait_dma2 semaphore(%run_scoped3A : memref<!tpu.dma_semaphore, #tpu.memory_space<semaphore_mem>>) src(%dma_wait3A_32 : memref<125x80xi32, #tpu.memory_space<hbm>>) dst(%arg4 : memref<125x80xi32, #tpu.memory_space<vmem>>)
      tpu.yield
    }) : () -> ()
    %scan3A_7 = arith.constant 0 : i32
    %scan3A_8 = arith.constant 0 : i32
    %scan3A_9 = arith.constant 625 : i32
    %scan3A_10 = arith.addi %scan3A_8, %scan3A_9 : i32
    %scan3A_11 = arith.constant 1 : i32
    scf.for %scan3A_19 = %scan3A_8 to %scan3A_10 step %scan3A_11  : i32 {
      %jit3A = arith.constant 5 : i32
      %div3A = arith.divsi %scan3A_19, %jit3A : i32
      %sign3A = arith.constant 0 : i32
      %sign3A_20 = arith.cmpi sgt, %scan3A_19, %sign3A : i32
      %sign3A_21 = arith.extui %sign3A_20 : i1 to i32
      %sign3A_22 = arith.constant 0 : i32
      %sign3A_23 = arith.cmpi slt, %scan3A_19, %sign3A_22 : i32
      %sign3A_24 = arith.extui %sign3A_23 : i1 to i32
      %sign3A_25 = arith.subi %sign3A_21, %sign3A_24 : i32
      %sign3A_26 = arith.constant 0 : i32
      %sign3A_27 = arith.cmpi sgt, %jit3A, %sign3A_26 : i32
      %sign3A_28 = arith.extui %sign3A_27 : i1 to i32
      %sign3A_29 = arith.constant 0 : i32
      %sign3A_30 = arith.cmpi slt, %jit3A, %sign3A_29 : i32
      %sign3A_31 = arith.extui %sign3A_30 : i1 to i32
      %sign3A_32 = arith.subi %sign3A_28, %sign3A_31 : i32
      %ne3A = arith.cmpi ne, %sign3A_25, %sign3A_32 : i32
      %rem3A = arith.remsi %scan3A_19, %jit3A : i32
      %ne3A_33 = arith.constant 0 : i32
      %ne3A_34 = arith.cmpi ne, %rem3A, %ne3A_33 : i32
      %and3A = arith.andi %ne3A, %ne3A_34 : i1
      %sub3A = arith.constant 1 : i32
      %sub3A_35 = arith.subi %div3A, %sub3A : i32
      %select_n3A = arith.select %and3A, %sub3A_35, %div3A : i32
      %jit3A_36 = arith.constant 5 : i32
      %eq3A = arith.constant 0 : i32
      %eq3A_37 = arith.cmpi eq, %jit3A_36, %eq3A : i32
      %jit3A_38 = arith.constant 1 : i32
      %select_n3A_39 = arith.select %eq3A_37, %jit3A_38, %jit3A_36 : i32
      %rem3A_40 = arith.remsi %scan3A_19, %select_n3A_39 : i32
      %ne3A_41 = arith.constant 0 : i32
      %ne3A_42 = arith.cmpi ne, %rem3A_40, %ne3A_41 : i32
      %lt3A = arith.constant 0 : i32
      %lt3A_43 = arith.cmpi slt, %rem3A_40, %lt3A : i32
      %lt3A_44 = arith.constant 0 : i32
      %lt3A_45 = arith.cmpi slt, %select_n3A_39, %lt3A_44 : i32
      %ne3A_46 = arith.xori %lt3A_43, %lt3A_45 : i1
      %and3A_47 = arith.andi %ne3A_46, %ne3A_42 : i1
      %add3A_48 = arith.addi %rem3A_40, %select_n3A_39 : i32
      %select_n3A_49 = arith.select %and3A_47, %add3A_48, %rem3A_40 : i32
      %mul3A_50 = arith.constant 16 : i32
      %mul3A_51 = arith.muli %select_n3A_49, %mul3A_50 : i32
      %get3A = arith.index_cast %select_n3A : i32 to index
      %get3A_52 = arith.index_cast %mul3A_51 : i32 to index
      %get3A_53 = tpu.vector_load %arg4[%get3A, %get3A_52] {strides = array<i32>} : memref<125x80xi32, #tpu.memory_space<vmem>>, vector<16xi32>,
      %broadcast_in_dim3A_54 = arith.constant true
      %broadcast_in_dim3A_55 = vector.broadcast %broadcast_in_dim3A_54 : i1 to vector<16xi1>
      %unique3A, %unique3A_56 = tpu.scan_count mask(%broadcast_in_dim3A_55 : vector<16xi1>) value(%get3A_53 : vector<16xi32>) : vector<16xi1>, vector<16xi32>
      %convert_element_type3A = arith.sitofp %unique3A_56 : vector<16xi32> to vector<16xf32>
      tpu.vector_store_idx %arg5[%get3A_53], %convert_element_type3A masked %unique3A {add = true} : memref<10240xf32, #tpu.memory_space<vmem>>[vector<16xi32>], vector<16xf32>, vector<16xi1>
    }
    %scan3A_12 = arith.constant 625 : i32
    %scan3A_13 = arith.constant 0 : i32
    %scan3A_14 = arith.constant 0 : i32
    %scan3A_15 = arith.constant 10 : i32
    %scan3A_16 = arith.addi %scan3A_14, %scan3A_15 : i32
    %scan3A_17 = arith.constant 1 : i32
    scf.for %scan3A_19 = %scan3A_14 to %scan3A_16 step %scan3A_17  : i32 {
      %mul3A_20 = arith.constant 1024 : i32
      %mul3A_21 = arith.muli %scan3A_19, %mul3A_20 : i32
      %multiple_of3A = tpu.assume_multiple %mul3A_21, 8 : i32
      "tpu.region"() ({
        %run_scoped3A = tpu.sem_alloc : memref<!tpu.dma_semaphore, #tpu.memory_space<semaphore_mem>>
        %dma_start3A = tpu.memref_slice %arg5[%multiple_of3A] : memref<10240xf32, #tpu.memory_space<vmem>> -> memref<1024xf32, #tpu.memory_space<vmem>>
        %dma_start3A_22 = tpu.memref_slice %arg3[%add3A, %multiple_of3A] : memref<32x10240xf32, #tpu.memory_space<hbm>> -> memref<1x1024xf32, #tpu.memory_space<hbm>>
        %dma_start3A_23 = tpu.memref_squeeze %dma_start3A_22 : memref<1x1024xf32, #tpu.memory_space<hbm>> -> memref<1024xf32, #tpu.memory_space<hbm>>
        %dma_start3A_24 = tpu.memref_slice %arg3[%add3A, %multiple_of3A] : memref<32x10240xf32, #tpu.memory_space<hbm>> -> memref<1x1024xf32, #tpu.memory_space<hbm>>
        %dma_start3A_25 = tpu.memref_squeeze %dma_start3A_24 : memref<1x1024xf32, #tpu.memory_space<hbm>> -> memref<1024xf32, #tpu.memory_space<hbm>>
        %dma_start3A_26 = tpu.memref_slice %arg5[%multiple_of3A] : memref<10240xf32, #tpu.memory_space<vmem>> -> memref<1024xf32, #tpu.memory_space<vmem>>
        tpu.enqueue_dma source(%dma_start3A_26 : memref<1024xf32, #tpu.memory_space<vmem>>) target(%dma_start3A_25 : memref<1024xf32, #tpu.memory_space<hbm>>) target_semaphore(%run_scoped3A : memref<!tpu.dma_semaphore, #tpu.memory_space<semaphore_mem>>)
        %dma_wait3A = tpu.memref_slice %arg5[%multiple_of3A] : memref<10240xf32, #tpu.memory_space<vmem>> -> memref<1024xf32, #tpu.memory_space<vmem>>
        %dma_wait3A_27 = tpu.memref_slice %arg3[%add3A, %multiple_of3A] : memref<32x10240xf32, #tpu.memory_space<hbm>> -> memref<1x1024xf32, #tpu.memory_space<hbm>>
        %dma_wait3A_28 = tpu.memref_squeeze %dma_wait3A_27 : memref<1x1024xf32, #tpu.memory_space<hbm>> -> memref<1024xf32, #tpu.memory_space<hbm>>
        %dma_wait3A_29 = tpu.memref_slice %arg3[%add3A, %multiple_of3A] : memref<32x10240xf32, #tpu.memory_space<hbm>> -> memref<1x1024xf32, #tpu.memory_space<hbm>>
        %dma_wait3A_30 = tpu.memref_squeeze %dma_wait3A_29 : memref<1x1024xf32, #tpu.memory_space<hbm>> -> memref<1024xf32, #tpu.memory_space<hbm>>
        %dma_wait3A_31 = tpu.memref_slice %arg5[%multiple_of3A] : memref<10240xf32, #tpu.memory_space<vmem>> -> memref<1024xf32, #tpu.memory_space<vmem>>
        tpu.wait_dma2 semaphore(%run_scoped3A : memref<!tpu.dma_semaphore, #tpu.memory_space<semaphore_mem>>) src(%dma_wait3A_31 : memref<1024xf32, #tpu.memory_space<vmem>>) dst(%dma_wait3A_30 : memref<1024xf32, #tpu.memory_space<hbm>>)
        tpu.yield
      }) : () -> ()
    }
    %scan3A_18 = arith.constant 10 : i32
    return
  }
}

#map = affine_map<(d0, d1) -> (0, 0)>
#map1 = affine_map<(d0, d1) -> (0, 0, 0)>
module attributes {stable_mosaic.version = 14 : i64} {
  func.func @body(%arg0: i32, %arg1: i32, %arg2: memref<10000x128xf32, #tpu.memory_space<hbm>>, %arg3: memref<32x125x80xi32, #tpu.memory_space<hbm>>, %arg4: memref<32x125x80xi32, #tpu.memory_space<hbm>>, %arg5: memref<2x10240x128xf32, #tpu.memory_space<hbm>>, %arg6: memref<125x80xi32, #tpu.memory_space<vmem>>, %arg7: memref<125x80xi32, #tpu.memory_space<vmem>>, %arg8: memref<80x128xf32, #tpu.memory_space<vmem>>, %arg9: memref<8x128xf32, #tpu.memory_space<vmem>>, %arg10: memref<10240x128xf32, #tpu.memory_space<vmem_shared>>, %arg11: memref<!tpu.dma_semaphore, #tpu.memory_space<semaphore_mem>>) attributes {dimension_semantics = [#tpu.dimension_semantics<core_parallel>, #tpu.dimension_semantics<subcore_parallel>], iteration_bounds = array<i64: 2, 16>, scalar_prefetch = 0 : i64, scratch_operands = 6 : i64, tpu.core_type = #tpu.core_type<sc_vector_subcore>, window_params = [{transform_indices = #map}, {transform_indices = #map1}, {transform_indices = #map1}, {transform_indices = #map1}]} {
    %mul3A = arith.constant 2 : i32
    %mul3A_0 = arith.muli %arg1, %mul3A : i32
    %add3A = arith.addi %mul3A_0, %arg0 : i32
    %broadcast_in_dim3A = arith.constant 0.000000e+00 : f32
    %broadcast_in_dim3A_1 = vector.broadcast %broadcast_in_dim3A : f32 to vector<16xf32>
    %scan3A = arith.constant 0 : i32
    %scan3A_2 = arith.constant 0 : i32
    %scan3A_3 = arith.constant 64 : i32
    %scan3A_4 = arith.addi %scan3A_2, %scan3A_3 : i32
    %scan3A_5 = arith.constant 1 : i32
    scf.for %scan3A_22 = %scan3A_2 to %scan3A_4 step %scan3A_5  : i32 {
      %jit3A = arith.constant 8 : i32
      %div3A = arith.divsi %scan3A_22, %jit3A : i32
      %sign3A = arith.constant 0 : i32
      %sign3A_23 = arith.cmpi sgt, %scan3A_22, %sign3A : i32
      %sign3A_24 = arith.extui %sign3A_23 : i1 to i32
      %sign3A_25 = arith.constant 0 : i32
      %sign3A_26 = arith.cmpi slt, %scan3A_22, %sign3A_25 : i32
      %sign3A_27 = arith.extui %sign3A_26 : i1 to i32
      %sign3A_28 = arith.subi %sign3A_24, %sign3A_27 : i32
      %sign3A_29 = arith.constant 0 : i32
      %sign3A_30 = arith.cmpi sgt, %jit3A, %sign3A_29 : i32
      %sign3A_31 = arith.extui %sign3A_30 : i1 to i32
      %sign3A_32 = arith.constant 0 : i32
      %sign3A_33 = arith.cmpi slt, %jit3A, %sign3A_32 : i32
      %sign3A_34 = arith.extui %sign3A_33 : i1 to i32
      %sign3A_35 = arith.subi %sign3A_31, %sign3A_34 : i32
      %ne3A = arith.cmpi ne, %sign3A_28, %sign3A_35 : i32
      %rem3A = arith.remsi %scan3A_22, %jit3A : i32
      %ne3A_36 = arith.constant 0 : i32
      %ne3A_37 = arith.cmpi ne, %rem3A, %ne3A_36 : i32
      %and3A = arith.andi %ne3A, %ne3A_37 : i1
      %sub3A = arith.constant 1 : i32
      %sub3A_38 = arith.subi %div3A, %sub3A : i32
      %select_n3A = arith.select %and3A, %sub3A_38, %div3A : i32
      %jit3A_39 = arith.constant 8 : i32
      %eq3A = arith.constant 0 : i32
      %eq3A_40 = arith.cmpi eq, %jit3A_39, %eq3A : i32
      %jit3A_41 = arith.constant 1 : i32
      %select_n3A_42 = arith.select %eq3A_40, %jit3A_41, %jit3A_39 : i32
      %rem3A_43 = arith.remsi %scan3A_22, %select_n3A_42 : i32
      %ne3A_44 = arith.constant 0 : i32
      %ne3A_45 = arith.cmpi ne, %rem3A_43, %ne3A_44 : i32
      %lt3A = arith.constant 0 : i32
      %lt3A_46 = arith.cmpi slt, %rem3A_43, %lt3A : i32
      %lt3A_47 = arith.constant 0 : i32
      %lt3A_48 = arith.cmpi slt, %select_n3A_42, %lt3A_47 : i32
      %ne3A_49 = arith.xori %lt3A_46, %lt3A_48 : i1
      %and3A_50 = arith.andi %ne3A_49, %ne3A_45 : i1
      %add3A_51 = arith.addi %rem3A_43, %select_n3A_42 : i32
      %select_n3A_52 = arith.select %and3A_50, %add3A_51, %rem3A_43 : i32
      %mul3A_53 = arith.constant 16 : i32
      %mul3A_54 = arith.muli %select_n3A_52, %mul3A_53 : i32
      %swap3A = arith.index_cast %select_n3A : i32 to index
      %swap3A_55 = arith.index_cast %mul3A_54 : i32 to index
      %swap3A_56 = tpu.vector_load %arg9[%swap3A, %swap3A_55] {strides = array<i32>} : memref<8x128xf32, #tpu.memory_space<vmem>>, vector<1x16xf32>,
      %swap3A_57 = vector.shape_cast %swap3A_56 : vector<1x16xf32> to vector<16xf32>
      %swap3A_58 = vector.shape_cast %broadcast_in_dim3A_1 : vector<16xf32> to vector<1x16xf32>
      tpu.vector_store %arg9[%swap3A, %swap3A_55], %swap3A_58 {strides = array<i32>} : memref<8x128xf32, #tpu.memory_space<vmem>>, vector<1x16xf32>,
    }
    %scan3A_6 = arith.constant 64 : i32
    %mul3A_7 = arith.constant 640 : i32
    %mul3A_8 = arith.muli %arg1, %mul3A_7 : i32
    %scan3A_9 = arith.constant 0 : i32
    %scan3A_10 = arith.constant 0 : i32
    %scan3A_11 = arith.constant 80 : i32
    %scan3A_12 = arith.addi %scan3A_10, %scan3A_11 : i32
    %scan3A_13 = arith.constant 1 : i32
    scf.for %scan3A_22 = %scan3A_10 to %scan3A_12 step %scan3A_13  : i32 {
      %mul3A_23 = arith.constant 8 : i32
      %mul3A_24 = arith.muli %scan3A_22, %mul3A_23 : i32
      %add3A_25 = arith.addi %mul3A_8, %mul3A_24 : i32
      %multiple_of3A = tpu.assume_multiple %add3A_25, 8 : i32
      "tpu.region"() ({
        %run_scoped3A = tpu.sem_alloc : memref<!tpu.dma_semaphore, #tpu.memory_space<semaphore_mem>>
        %dma_start3A = arith.constant 0 : i32
        %dma_start3A_26 = tpu.memref_slice %arg10[%multiple_of3A, %dma_start3A] : memref<10240x128xf32, #tpu.memory_space<vmem_shared>> -> memref<8x128xf32, #tpu.memory_space<vmem_shared>>
        %dma_start3A_27 = arith.constant 0 : i32
        %dma_start3A_28 = tpu.memref_slice %arg10[%multiple_of3A, %dma_start3A_27] : memref<10240x128xf32, #tpu.memory_space<vmem_shared>> -> memref<8x128xf32, #tpu.memory_space<vmem_shared>>
        tpu.enqueue_dma source(%arg9 : memref<8x128xf32, #tpu.memory_space<vmem>>) target(%dma_start3A_28 : memref<8x128xf32, #tpu.memory_space<vmem_shared>>) target_semaphore(%run_scoped3A : memref<!tpu.dma_semaphore, #tpu.memory_space<semaphore_mem>>)
        %dma_wait3A = arith.constant 0 : i32
        %dma_wait3A_29 = tpu.memref_slice %arg10[%multiple_of3A, %dma_wait3A] : memref<10240x128xf32, #tpu.memory_space<vmem_shared>> -> memref<8x128xf32, #tpu.memory_space<vmem_shared>>
        %dma_wait3A_30 = arith.constant 0 : i32
        %dma_wait3A_31 = tpu.memref_slice %arg10[%multiple_of3A, %dma_wait3A_30] : memref<10240x128xf32, #tpu.memory_space<vmem_shared>> -> memref<8x128xf32, #tpu.memory_space<vmem_shared>>
        tpu.wait_dma2 semaphore(%run_scoped3A : memref<!tpu.dma_semaphore, #tpu.memory_space<semaphore_mem>>) src(%arg9 : memref<8x128xf32, #tpu.memory_space<vmem>>) dst(%dma_wait3A_31 : memref<8x128xf32, #tpu.memory_space<vmem_shared>>)
        tpu.yield
      }) : () -> ()
    }
    %scan3A_14 = arith.constant 80 : i32
    "tpu.region"() ({
      %run_scoped3A = tpu.sem_alloc : memref<!tpu.dma_semaphore, #tpu.memory_space<semaphore_mem>>
      %dma_start3A = arith.constant 0 : i32
      %dma_start3A_22 = arith.constant 0 : i32
      %dma_start3A_23 = tpu.memref_slice %arg3[%add3A, %dma_start3A, %dma_start3A_22] : memref<32x125x80xi32, #tpu.memory_space<hbm>> -> memref<1x125x80xi32, #tpu.memory_space<hbm>>
      %dma_start3A_24 = tpu.memref_squeeze %dma_start3A_23 : memref<1x125x80xi32, #tpu.memory_space<hbm>> -> memref<125x80xi32, #tpu.memory_space<hbm>>
      %dma_start3A_25 = arith.constant 0 : i32
      %dma_start3A_26 = arith.constant 0 : i32
      %dma_start3A_27 = tpu.memref_slice %arg3[%add3A, %dma_start3A_25, %dma_start3A_26] : memref<32x125x80xi32, #tpu.memory_space<hbm>> -> memref<1x125x80xi32, #tpu.memory_space<hbm>>
      %dma_start3A_28 = tpu.memref_squeeze %dma_start3A_27 : memref<1x125x80xi32, #tpu.memory_space<hbm>> -> memref<125x80xi32, #tpu.memory_space<hbm>>
      tpu.enqueue_dma source(%dma_start3A_28 : memref<125x80xi32, #tpu.memory_space<hbm>>) target(%arg6 : memref<125x80xi32, #tpu.memory_space<vmem>>) target_semaphore(%run_scoped3A : memref<!tpu.dma_semaphore, #tpu.memory_space<semaphore_mem>>)
      %dma_wait3A = arith.constant 0 : i32
      %dma_wait3A_29 = arith.constant 0 : i32
      %dma_wait3A_30 = tpu.memref_slice %arg3[%add3A, %dma_wait3A, %dma_wait3A_29] : memref<32x125x80xi32, #tpu.memory_space<hbm>> -> memref<1x125x80xi32, #tpu.memory_space<hbm>>
      %dma_wait3A_31 = tpu.memref_squeeze %dma_wait3A_30 : memref<1x125x80xi32, #tpu.memory_space<hbm>> -> memref<125x80xi32, #tpu.memory_space<hbm>>
      %dma_wait3A_32 = arith.constant 0 : i32
      %dma_wait3A_33 = arith.constant 0 : i32
      %dma_wait3A_34 = tpu.memref_slice %arg3[%add3A, %dma_wait3A_32, %dma_wait3A_33] : memref<32x125x80xi32, #tpu.memory_space<hbm>> -> memref<1x125x80xi32, #tpu.memory_space<hbm>>
      %dma_wait3A_35 = tpu.memref_squeeze %dma_wait3A_34 : memref<1x125x80xi32, #tpu.memory_space<hbm>> -> memref<125x80xi32, #tpu.memory_space<hbm>>
      tpu.wait_dma2 semaphore(%run_scoped3A : memref<!tpu.dma_semaphore, #tpu.memory_space<semaphore_mem>>) src(%dma_wait3A_35 : memref<125x80xi32, #tpu.memory_space<hbm>>) dst(%arg6 : memref<125x80xi32, #tpu.memory_space<vmem>>)
      tpu.yield
    }) : () -> ()
    "tpu.region"() ({
      %run_scoped3A = tpu.sem_alloc : memref<!tpu.dma_semaphore, #tpu.memory_space<semaphore_mem>>
      %dma_start3A = arith.constant 0 : i32
      %dma_start3A_22 = arith.constant 0 : i32
      %dma_start3A_23 = tpu.memref_slice %arg4[%add3A, %dma_start3A, %dma_start3A_22] : memref<32x125x80xi32, #tpu.memory_space<hbm>> -> memref<1x125x80xi32, #tpu.memory_space<hbm>>
      %dma_start3A_24 = tpu.memref_squeeze %dma_start3A_23 : memref<1x125x80xi32, #tpu.memory_space<hbm>> -> memref<125x80xi32, #tpu.memory_space<hbm>>
      %dma_start3A_25 = arith.constant 0 : i32
      %dma_start3A_26 = arith.constant 0 : i32
      %dma_start3A_27 = tpu.memref_slice %arg4[%add3A, %dma_start3A_25, %dma_start3A_26] : memref<32x125x80xi32, #tpu.memory_space<hbm>> -> memref<1x125x80xi32, #tpu.memory_space<hbm>>
      %dma_start3A_28 = tpu.memref_squeeze %dma_start3A_27 : memref<1x125x80xi32, #tpu.memory_space<hbm>> -> memref<125x80xi32, #tpu.memory_space<hbm>>
      tpu.enqueue_dma source(%dma_start3A_28 : memref<125x80xi32, #tpu.memory_space<hbm>>) target(%arg7 : memref<125x80xi32, #tpu.memory_space<vmem>>) target_semaphore(%run_scoped3A : memref<!tpu.dma_semaphore, #tpu.memory_space<semaphore_mem>>)
      %dma_wait3A = arith.constant 0 : i32
      %dma_wait3A_29 = arith.constant 0 : i32
      %dma_wait3A_30 = tpu.memref_slice %arg4[%add3A, %dma_wait3A, %dma_wait3A_29] : memref<32x125x80xi32, #tpu.memory_space<hbm>> -> memref<1x125x80xi32, #tpu.memory_space<hbm>>
      %dma_wait3A_31 = tpu.memref_squeeze %dma_wait3A_30 : memref<1x125x80xi32, #tpu.memory_space<hbm>> -> memref<125x80xi32, #tpu.memory_space<hbm>>
      %dma_wait3A_32 = arith.constant 0 : i32
      %dma_wait3A_33 = arith.constant 0 : i32
      %dma_wait3A_34 = tpu.memref_slice %arg4[%add3A, %dma_wait3A_32, %dma_wait3A_33] : memref<32x125x80xi32, #tpu.memory_space<hbm>> -> memref<1x125x80xi32, #tpu.memory_space<hbm>>
      %dma_wait3A_35 = tpu.memref_squeeze %dma_wait3A_34 : memref<1x125x80xi32, #tpu.memory_space<hbm>> -> memref<125x80xi32, #tpu.memory_space<hbm>>
      tpu.wait_dma2 semaphore(%run_scoped3A : memref<!tpu.dma_semaphore, #tpu.memory_space<semaphore_mem>>) src(%dma_wait3A_35 : memref<125x80xi32, #tpu.memory_space<hbm>>) dst(%arg7 : memref<125x80xi32, #tpu.memory_space<vmem>>)
      tpu.yield
    }) : () -> ()
    %barrier3A = arith.constant 0 : index
    tpu.barrier barrier_id(%barrier3A)
    %scan3A_15 = arith.constant 0 : i32
    %scan3A_16 = arith.constant 0 : i32
    %scan3A_17 = arith.constant 125 : i32
    %scan3A_18 = arith.addi %scan3A_16, %scan3A_17 : i32
    %scan3A_19 = arith.constant 1 : i32
    scf.for %scan3A_22 = %scan3A_16 to %scan3A_18 step %scan3A_19  : i32 {
      %dma_start3A = arith.constant 0 : i32
      %dma_start3A_23 = tpu.memref_slice %arg6[%scan3A_22, %dma_start3A] : memref<125x80xi32, #tpu.memory_space<vmem>> -> memref<1x80xi32, #tpu.memory_space<vmem>>
      %dma_start3A_24 = tpu.memref_squeeze %dma_start3A_23 : memref<1x80xi32, #tpu.memory_space<vmem>> -> memref<80xi32, #tpu.memory_space<vmem>>
      %dma_start3A_25 = arith.constant 0 : i32
      %dma_start3A_26 = arith.constant 0 : i32
      %dma_start3A_27 = tpu.memref_slice %arg2[%dma_start3A_25, %dma_start3A_26] : memref<10000x128xf32, #tpu.memory_space<hbm>> -> memref<10000x128xf32, #tpu.memory_space<hbm>>
      tpu.enqueue_indirect_dma source(%dma_start3A_27 : memref<10000x128xf32, #tpu.memory_space<hbm>>) target(%arg8 : memref<80x128xf32, #tpu.memory_space<vmem>>) offsets(%dma_start3A_24 : memref<80xi32, #tpu.memory_space<vmem>>) semaphore(%arg11 : memref<!tpu.dma_semaphore, #tpu.memory_space<semaphore_mem>>)
      %dma_wait3A = arith.constant 0 : i32
      %dma_wait3A_28 = tpu.memref_slice %arg6[%scan3A_22, %dma_wait3A] : memref<125x80xi32, #tpu.memory_space<vmem>> -> memref<1x80xi32, #tpu.memory_space<vmem>>
      %dma_wait3A_29 = tpu.memref_squeeze %dma_wait3A_28 : memref<1x80xi32, #tpu.memory_space<vmem>> -> memref<80xi32, #tpu.memory_space<vmem>>
      %dma_wait3A_30 = arith.constant 0 : i32
      %dma_wait3A_31 = arith.constant 0 : i32
      %dma_wait3A_32 = tpu.memref_slice %arg2[%dma_wait3A_30, %dma_wait3A_31] : memref<10000x128xf32, #tpu.memory_space<hbm>> -> memref<10000x128xf32, #tpu.memory_space<hbm>>
      tpu.wait_indirect_dma semaphore(%arg11 : memref<!tpu.dma_semaphore, #tpu.memory_space<semaphore_mem>>) src(%dma_wait3A_32 : memref<10000x128xf32, #tpu.memory_space<hbm>>) dst(%arg8 : memref<80x128xf32, #tpu.memory_space<vmem>>)
      "tpu.region"() ({
        %run_scoped3A = tpu.sem_alloc : memref<!tpu.dma_semaphore, #tpu.memory_space<semaphore_mem>>
        %dma_start3A_33 = arith.constant 0 : i32
        %dma_start3A_34 = tpu.memref_slice %arg7[%scan3A_22, %dma_start3A_33] : memref<125x80xi32, #tpu.memory_space<vmem>> -> memref<1x80xi32, #tpu.memory_space<vmem>>
        %dma_start3A_35 = tpu.memref_squeeze %dma_start3A_34 : memref<1x80xi32, #tpu.memory_space<vmem>> -> memref<80xi32, #tpu.memory_space<vmem>>
        %dma_start3A_36 = arith.constant 0 : i32
        %dma_start3A_37 = arith.constant 0 : i32
        %dma_start3A_38 = tpu.memref_slice %arg10[%dma_start3A_36, %dma_start3A_37] : memref<10240x128xf32, #tpu.memory_space<vmem_shared>> -> memref<10240x128xf32, #tpu.memory_space<vmem_shared>>
        tpu.enqueue_indirect_dma source(%arg8 : memref<80x128xf32, #tpu.memory_space<vmem>>) target(%dma_start3A_38 : memref<10240x128xf32, #tpu.memory_space<vmem_shared>>) offsets(%dma_start3A_35 : memref<80xi32, #tpu.memory_space<vmem>>) semaphore(%run_scoped3A : memref<!tpu.dma_semaphore, #tpu.memory_space<semaphore_mem>>) {add = true}
        %dma_wait3A_39 = arith.constant 0 : i32
        %dma_wait3A_40 = tpu.memref_slice %arg7[%scan3A_22, %dma_wait3A_39] : memref<125x80xi32, #tpu.memory_space<vmem>> -> memref<1x80xi32, #tpu.memory_space<vmem>>
        %dma_wait3A_41 = tpu.memref_squeeze %dma_wait3A_40 : memref<1x80xi32, #tpu.memory_space<vmem>> -> memref<80xi32, #tpu.memory_space<vmem>>
        %dma_wait3A_42 = arith.constant 0 : i32
        %dma_wait3A_43 = arith.constant 0 : i32
        %dma_wait3A_44 = tpu.memref_slice %arg10[%dma_wait3A_42, %dma_wait3A_43] : memref<10240x128xf32, #tpu.memory_space<vmem_shared>> -> memref<10240x128xf32, #tpu.memory_space<vmem_shared>>
        tpu.wait_indirect_dma semaphore(%run_scoped3A : memref<!tpu.dma_semaphore, #tpu.memory_space<semaphore_mem>>) src(%arg8 : memref<80x128xf32, #tpu.memory_space<vmem>>) dst(%dma_wait3A_44 : memref<10240x128xf32, #tpu.memory_space<vmem_shared>>)
        tpu.yield
      }) : () -> ()
    }
    %scan3A_20 = arith.constant 125 : i32
    %barrier3A_21 = arith.constant 0 : index
    tpu.barrier barrier_id(%barrier3A_21)
    "tpu.region"() ({
      %run_scoped3A = tpu.sem_alloc : memref<!tpu.dma_semaphore, #tpu.memory_space<semaphore_mem>>
      %dma_start3A = arith.constant 0 : i32
      %dma_start3A_22 = tpu.memref_slice %arg5[%arg0, %mul3A_8, %dma_start3A] : memref<2x10240x128xf32, #tpu.memory_space<hbm>> -> memref<1x640x128xf32, #tpu.memory_space<hbm>>
      %dma_start3A_23 = tpu.memref_squeeze %dma_start3A_22 : memref<1x640x128xf32, #tpu.memory_space<hbm>> -> memref<640x128xf32, #tpu.memory_space<hbm>>
      %dma_start3A_24 = arith.constant 0 : i32
      %dma_start3A_25 = tpu.memref_slice %arg10[%mul3A_8, %dma_start3A_24] : memref<10240x128xf32, #tpu.memory_space<vmem_shared>> -> memref<640x128xf32, #tpu.memory_space<vmem_shared>>
      tpu.enqueue_dma source(%dma_start3A_25 : memref<640x128xf32, #tpu.memory_space<vmem_shared>>) target(%dma_start3A_23 : memref<640x128xf32, #tpu.memory_space<hbm>>) target_semaphore(%run_scoped3A : memref<!tpu.dma_semaphore, #tpu.memory_space<semaphore_mem>>)
      %dma_wait3A = arith.constant 0 : i32
      %dma_wait3A_26 = tpu.memref_slice %arg5[%arg0, %mul3A_8, %dma_wait3A] : memref<2x10240x128xf32, #tpu.memory_space<hbm>> -> memref<1x640x128xf32, #tpu.memory_space<hbm>>
      %dma_wait3A_27 = tpu.memref_squeeze %dma_wait3A_26 : memref<1x640x128xf32, #tpu.memory_space<hbm>> -> memref<640x128xf32, #tpu.memory_space<hbm>>
      %dma_wait3A_28 = arith.constant 0 : i32
      %dma_wait3A_29 = tpu.memref_slice %arg10[%mul3A_8, %dma_wait3A_28] : memref<10240x128xf32, #tpu.memory_space<vmem_shared>> -> memref<640x128xf32, #tpu.memory_space<vmem_shared>>
      tpu.wait_dma2 semaphore(%run_scoped3A : memref<!tpu.dma_semaphore, #tpu.memory_space<semaphore_mem>>) src(%dma_wait3A_29 : memref<640x128xf32, #tpu.memory_space<vmem_shared>>) dst(%dma_wait3A_27 : memref<640x128xf32, #tpu.memory_space<hbm>>)
      tpu.yield
    }) : () -> ()
    return
  }
}

#map = affine_map<(d0, d1) -> (0, 0)>
#map1 = affine_map<(d0, d1) -> (0, 0, 0)>
module attributes {stable_mosaic.version = 14 : i64} {
  func.func @body(%arg0: i32, %arg1: i32, %arg2: memref<10000x128xf32, #tpu.memory_space<hbm>>, %arg3: memref<32x125x80xi32, #tpu.memory_space<hbm>>, %arg4: memref<32x125x80xi32, #tpu.memory_space<hbm>>, %arg5: memref<2x10240x128xf32, #tpu.memory_space<hbm>>, %arg6: memref<125x80xi32, #tpu.memory_space<vmem>>, %arg7: memref<125x80xi32, #tpu.memory_space<vmem>>, %arg8: memref<80x128xf32, #tpu.memory_space<vmem>>, %arg9: memref<8x128xf32, #tpu.memory_space<vmem>>, %arg10: memref<10240x128xf32, #tpu.memory_space<vmem_shared>>, %arg11: memref<!tpu.dma_semaphore, #tpu.memory_space<semaphore_mem>>) attributes {dimension_semantics = [#tpu.dimension_semantics<core_parallel>, #tpu.dimension_semantics<subcore_parallel>], iteration_bounds = array<i64: 2, 16>, scalar_prefetch = 0 : i64, scratch_operands = 6 : i64, tpu.core_type = #tpu.core_type<sc_vector_subcore>, window_params = [{transform_indices = #map}, {transform_indices = #map1}, {transform_indices = #map1}, {transform_indices = #map1}]} {
    %mul3A = arith.constant 2 : i32
    %mul3A_0 = arith.muli %arg1, %mul3A : i32
    %add3A = arith.addi %mul3A_0, %arg0 : i32
    %broadcast_in_dim3A = arith.constant 0.000000e+00 : f32
    %broadcast_in_dim3A_1 = vector.broadcast %broadcast_in_dim3A : f32 to vector<16xf32>
    %scan3A = arith.constant 0 : i32
    %scan3A_2 = arith.constant 0 : i32
    %scan3A_3 = arith.constant 64 : i32
    %scan3A_4 = arith.addi %scan3A_2, %scan3A_3 : i32
    %scan3A_5 = arith.constant 1 : i32
    scf.for %scan3A_22 = %scan3A_2 to %scan3A_4 step %scan3A_5  : i32 {
      %jit3A = arith.constant 8 : i32
      %div3A = arith.divsi %scan3A_22, %jit3A : i32
      %sign3A = arith.constant 0 : i32
      %sign3A_23 = arith.cmpi sgt, %scan3A_22, %sign3A : i32
      %sign3A_24 = arith.extui %sign3A_23 : i1 to i32
      %sign3A_25 = arith.constant 0 : i32
      %sign3A_26 = arith.cmpi slt, %scan3A_22, %sign3A_25 : i32
      %sign3A_27 = arith.extui %sign3A_26 : i1 to i32
      %sign3A_28 = arith.subi %sign3A_24, %sign3A_27 : i32
      %sign3A_29 = arith.constant 0 : i32
      %sign3A_30 = arith.cmpi sgt, %jit3A, %sign3A_29 : i32
      %sign3A_31 = arith.extui %sign3A_30 : i1 to i32
      %sign3A_32 = arith.constant 0 : i32
      %sign3A_33 = arith.cmpi slt, %jit3A, %sign3A_32 : i32
      %sign3A_34 = arith.extui %sign3A_33 : i1 to i32
      %sign3A_35 = arith.subi %sign3A_31, %sign3A_34 : i32
      %ne3A = arith.cmpi ne, %sign3A_28, %sign3A_35 : i32
      %rem3A = arith.remsi %scan3A_22, %jit3A : i32
      %ne3A_36 = arith.constant 0 : i32
      %ne3A_37 = arith.cmpi ne, %rem3A, %ne3A_36 : i32
      %and3A = arith.andi %ne3A, %ne3A_37 : i1
      %sub3A = arith.constant 1 : i32
      %sub3A_38 = arith.subi %div3A, %sub3A : i32
      %select_n3A = arith.select %and3A, %sub3A_38, %div3A : i32
      %jit3A_39 = arith.constant 8 : i32
      %eq3A = arith.constant 0 : i32
      %eq3A_40 = arith.cmpi eq, %jit3A_39, %eq3A : i32
      %jit3A_41 = arith.constant 1 : i32
      %select_n3A_42 = arith.select %eq3A_40, %jit3A_41, %jit3A_39 : i32
      %rem3A_43 = arith.remsi %scan3A_22, %select_n3A_42 : i32
      %ne3A_44 = arith.constant 0 : i32
      %ne3A_45 = arith.cmpi ne, %rem3A_43, %ne3A_44 : i32
      %lt3A = arith.constant 0 : i32
      %lt3A_46 = arith.cmpi slt, %rem3A_43, %lt3A : i32
      %lt3A_47 = arith.constant 0 : i32
      %lt3A_48 = arith.cmpi slt, %select_n3A_42, %lt3A_47 : i32
      %ne3A_49 = arith.xori %lt3A_46, %lt3A_48 : i1
      %and3A_50 = arith.andi %ne3A_49, %ne3A_45 : i1
      %add3A_51 = arith.addi %rem3A_43, %select_n3A_42 : i32
      %select_n3A_52 = arith.select %and3A_50, %add3A_51, %rem3A_43 : i32
      %mul3A_53 = arith.constant 16 : i32
      %mul3A_54 = arith.muli %select_n3A_52, %mul3A_53 : i32
      %swap3A = arith.index_cast %select_n3A : i32 to index
      %swap3A_55 = arith.index_cast %mul3A_54 : i32 to index
      %swap3A_56 = tpu.vector_load %arg9[%swap3A, %swap3A_55] {strides = array<i32>} : memref<8x128xf32, #tpu.memory_space<vmem>>, vector<1x16xf32>,
      %swap3A_57 = vector.shape_cast %swap3A_56 : vector<1x16xf32> to vector<16xf32>
      %swap3A_58 = vector.shape_cast %broadcast_in_dim3A_1 : vector<16xf32> to vector<1x16xf32>
      tpu.vector_store %arg9[%swap3A, %swap3A_55], %swap3A_58 {strides = array<i32>} : memref<8x128xf32, #tpu.memory_space<vmem>>, vector<1x16xf32>,
    }
    %scan3A_6 = arith.constant 64 : i32
    %mul3A_7 = arith.constant 640 : i32
    %mul3A_8 = arith.muli %arg1, %mul3A_7 : i32
    %scan3A_9 = arith.constant 0 : i32
    %scan3A_10 = arith.constant 0 : i32
    %scan3A_11 = arith.constant 80 : i32
    %scan3A_12 = arith.addi %scan3A_10, %scan3A_11 : i32
    %scan3A_13 = arith.constant 1 : i32
    scf.for %scan3A_22 = %scan3A_10 to %scan3A_12 step %scan3A_13  : i32 {
      %mul3A_23 = arith.constant 8 : i32
      %mul3A_24 = arith.muli %scan3A_22, %mul3A_23 : i32
      %add3A_25 = arith.addi %mul3A_8, %mul3A_24 : i32
      %multiple_of3A = tpu.assume_multiple %add3A_25, 8 : i32
      "tpu.region"() ({
        %run_scoped3A = tpu.sem_alloc : memref<!tpu.dma_semaphore, #tpu.memory_space<semaphore_mem>>
        %dma_start3A = arith.constant 0 : i32
        %dma_start3A_26 = tpu.memref_slice %arg10[%multiple_of3A, %dma_start3A] : memref<10240x128xf32, #tpu.memory_space<vmem_shared>> -> memref<8x128xf32, #tpu.memory_space<vmem_shared>>
        %dma_start3A_27 = arith.constant 0 : i32
        %dma_start3A_28 = tpu.memref_slice %arg10[%multiple_of3A, %dma_start3A_27] : memref<10240x128xf32, #tpu.memory_space<vmem_shared>> -> memref<8x128xf32, #tpu.memory_space<vmem_shared>>
        tpu.enqueue_dma source(%arg9 : memref<8x128xf32, #tpu.memory_space<vmem>>) target(%dma_start3A_28 : memref<8x128xf32, #tpu.memory_space<vmem_shared>>) target_semaphore(%run_scoped3A : memref<!tpu.dma_semaphore, #tpu.memory_space<semaphore_mem>>)
        %dma_wait3A = arith.constant 0 : i32
        %dma_wait3A_29 = tpu.memref_slice %arg10[%multiple_of3A, %dma_wait3A] : memref<10240x128xf32, #tpu.memory_space<vmem_shared>> -> memref<8x128xf32, #tpu.memory_space<vmem_shared>>
        %dma_wait3A_30 = arith.constant 0 : i32
        %dma_wait3A_31 = tpu.memref_slice %arg10[%multiple_of3A, %dma_wait3A_30] : memref<10240x128xf32, #tpu.memory_space<vmem_shared>> -> memref<8x128xf32, #tpu.memory_space<vmem_shared>>
        tpu.wait_dma2 semaphore(%run_scoped3A : memref<!tpu.dma_semaphore, #tpu.memory_space<semaphore_mem>>) src(%arg9 : memref<8x128xf32, #tpu.memory_space<vmem>>) dst(%dma_wait3A_31 : memref<8x128xf32, #tpu.memory_space<vmem_shared>>)
        tpu.yield
      }) : () -> ()
    }
    %scan3A_14 = arith.constant 80 : i32
    "tpu.region"() ({
      %run_scoped3A = tpu.sem_alloc : memref<!tpu.dma_semaphore, #tpu.memory_space<semaphore_mem>>
      %dma_start3A = arith.constant 0 : i32
      %dma_start3A_22 = arith.constant 0 : i32
      %dma_start3A_23 = tpu.memref_slice %arg3[%add3A, %dma_start3A, %dma_start3A_22] : memref<32x125x80xi32, #tpu.memory_space<hbm>> -> memref<1x125x80xi32, #tpu.memory_space<hbm>>
      %dma_start3A_24 = tpu.memref_squeeze %dma_start3A_23 : memref<1x125x80xi32, #tpu.memory_space<hbm>> -> memref<125x80xi32, #tpu.memory_space<hbm>>
      %dma_start3A_25 = arith.constant 0 : i32
      %dma_start3A_26 = arith.constant 0 : i32
      %dma_start3A_27 = tpu.memref_slice %arg3[%add3A, %dma_start3A_25, %dma_start3A_26] : memref<32x125x80xi32, #tpu.memory_space<hbm>> -> memref<1x125x80xi32, #tpu.memory_space<hbm>>
      %dma_start3A_28 = tpu.memref_squeeze %dma_start3A_27 : memref<1x125x80xi32, #tpu.memory_space<hbm>> -> memref<125x80xi32, #tpu.memory_space<hbm>>
      tpu.enqueue_dma source(%dma_start3A_28 : memref<125x80xi32, #tpu.memory_space<hbm>>) target(%arg6 : memref<125x80xi32, #tpu.memory_space<vmem>>) target_semaphore(%run_scoped3A : memref<!tpu.dma_semaphore, #tpu.memory_space<semaphore_mem>>)
      %dma_wait3A = arith.constant 0 : i32
      %dma_wait3A_29 = arith.constant 0 : i32
      %dma_wait3A_30 = tpu.memref_slice %arg3[%add3A, %dma_wait3A, %dma_wait3A_29] : memref<32x125x80xi32, #tpu.memory_space<hbm>> -> memref<1x125x80xi32, #tpu.memory_space<hbm>>
      %dma_wait3A_31 = tpu.memref_squeeze %dma_wait3A_30 : memref<1x125x80xi32, #tpu.memory_space<hbm>> -> memref<125x80xi32, #tpu.memory_space<hbm>>
      %dma_wait3A_32 = arith.constant 0 : i32
      %dma_wait3A_33 = arith.constant 0 : i32
      %dma_wait3A_34 = tpu.memref_slice %arg3[%add3A, %dma_wait3A_32, %dma_wait3A_33] : memref<32x125x80xi32, #tpu.memory_space<hbm>> -> memref<1x125x80xi32, #tpu.memory_space<hbm>>
      %dma_wait3A_35 = tpu.memref_squeeze %dma_wait3A_34 : memref<1x125x80xi32, #tpu.memory_space<hbm>> -> memref<125x80xi32, #tpu.memory_space<hbm>>
      tpu.wait_dma2 semaphore(%run_scoped3A : memref<!tpu.dma_semaphore, #tpu.memory_space<semaphore_mem>>) src(%dma_wait3A_35 : memref<125x80xi32, #tpu.memory_space<hbm>>) dst(%arg6 : memref<125x80xi32, #tpu.memory_space<vmem>>)
      tpu.yield
    }) : () -> ()
    "tpu.region"() ({
      %run_scoped3A = tpu.sem_alloc : memref<!tpu.dma_semaphore, #tpu.memory_space<semaphore_mem>>
      %dma_start3A = arith.constant 0 : i32
      %dma_start3A_22 = arith.constant 0 : i32
      %dma_start3A_23 = tpu.memref_slice %arg4[%add3A, %dma_start3A, %dma_start3A_22] : memref<32x125x80xi32, #tpu.memory_space<hbm>> -> memref<1x125x80xi32, #tpu.memory_space<hbm>>
      %dma_start3A_24 = tpu.memref_squeeze %dma_start3A_23 : memref<1x125x80xi32, #tpu.memory_space<hbm>> -> memref<125x80xi32, #tpu.memory_space<hbm>>
      %dma_start3A_25 = arith.constant 0 : i32
      %dma_start3A_26 = arith.constant 0 : i32
      %dma_start3A_27 = tpu.memref_slice %arg4[%add3A, %dma_start3A_25, %dma_start3A_26] : memref<32x125x80xi32, #tpu.memory_space<hbm>> -> memref<1x125x80xi32, #tpu.memory_space<hbm>>
      %dma_start3A_28 = tpu.memref_squeeze %dma_start3A_27 : memref<1x125x80xi32, #tpu.memory_space<hbm>> -> memref<125x80xi32, #tpu.memory_space<hbm>>
      tpu.enqueue_dma source(%dma_start3A_28 : memref<125x80xi32, #tpu.memory_space<hbm>>) target(%arg7 : memref<125x80xi32, #tpu.memory_space<vmem>>) target_semaphore(%run_scoped3A : memref<!tpu.dma_semaphore, #tpu.memory_space<semaphore_mem>>)
      %dma_wait3A = arith.constant 0 : i32
      %dma_wait3A_29 = arith.constant 0 : i32
      %dma_wait3A_30 = tpu.memref_slice %arg4[%add3A, %dma_wait3A, %dma_wait3A_29] : memref<32x125x80xi32, #tpu.memory_space<hbm>> -> memref<1x125x80xi32, #tpu.memory_space<hbm>>
      %dma_wait3A_31 = tpu.memref_squeeze %dma_wait3A_30 : memref<1x125x80xi32, #tpu.memory_space<hbm>> -> memref<125x80xi32, #tpu.memory_space<hbm>>
      %dma_wait3A_32 = arith.constant 0 : i32
      %dma_wait3A_33 = arith.constant 0 : i32
      %dma_wait3A_34 = tpu.memref_slice %arg4[%add3A, %dma_wait3A_32, %dma_wait3A_33] : memref<32x125x80xi32, #tpu.memory_space<hbm>> -> memref<1x125x80xi32, #tpu.memory_space<hbm>>
      %dma_wait3A_35 = tpu.memref_squeeze %dma_wait3A_34 : memref<1x125x80xi32, #tpu.memory_space<hbm>> -> memref<125x80xi32, #tpu.memory_space<hbm>>
      tpu.wait_dma2 semaphore(%run_scoped3A : memref<!tpu.dma_semaphore, #tpu.memory_space<semaphore_mem>>) src(%dma_wait3A_35 : memref<125x80xi32, #tpu.memory_space<hbm>>) dst(%arg7 : memref<125x80xi32, #tpu.memory_space<vmem>>)
      tpu.yield
    }) : () -> ()
    %barrier3A = arith.constant 0 : index
    tpu.barrier barrier_id(%barrier3A)
    %scan3A_15 = arith.constant 0 : i32
    %scan3A_16 = arith.constant 0 : i32
    %scan3A_17 = arith.constant 125 : i32
    %scan3A_18 = arith.addi %scan3A_16, %scan3A_17 : i32
    %scan3A_19 = arith.constant 1 : i32
    scf.for %scan3A_22 = %scan3A_16 to %scan3A_18 step %scan3A_19  : i32 {
      %dma_start3A = arith.constant 0 : i32
      %dma_start3A_23 = tpu.memref_slice %arg6[%scan3A_22, %dma_start3A] : memref<125x80xi32, #tpu.memory_space<vmem>> -> memref<1x80xi32, #tpu.memory_space<vmem>>
      %dma_start3A_24 = tpu.memref_squeeze %dma_start3A_23 : memref<1x80xi32, #tpu.memory_space<vmem>> -> memref<80xi32, #tpu.memory_space<vmem>>
      %dma_start3A_25 = arith.constant 0 : i32
      %dma_start3A_26 = arith.constant 0 : i32
      %dma_start3A_27 = tpu.memref_slice %arg2[%dma_start3A_25, %dma_start3A_26] : memref<10000x128xf32, #tpu.memory_space<hbm>> -> memref<10000x128xf32, #tpu.memory_space<hbm>>
      tpu.enqueue_indirect_dma source(%dma_start3A_27 : memref<10000x128xf32, #tpu.memory_space<hbm>>) target(%arg8 : memref<80x128xf32, #tpu.memory_space<vmem>>) offsets(%dma_start3A_24 : memref<80xi32, #tpu.memory_space<vmem>>) semaphore(%arg11 : memref<!tpu.dma_semaphore, #tpu.memory_space<semaphore_mem>>)
      %dma_wait3A = arith.constant 0 : i32
      %dma_wait3A_28 = tpu.memref_slice %arg6[%scan3A_22, %dma_wait3A] : memref<125x80xi32, #tpu.memory_space<vmem>> -> memref<1x80xi32, #tpu.memory_space<vmem>>
      %dma_wait3A_29 = tpu.memref_squeeze %dma_wait3A_28 : memref<1x80xi32, #tpu.memory_space<vmem>> -> memref<80xi32, #tpu.memory_space<vmem>>
      %dma_wait3A_30 = arith.constant 0 : i32
      %dma_wait3A_31 = arith.constant 0 : i32
      %dma_wait3A_32 = tpu.memref_slice %arg2[%dma_wait3A_30, %dma_wait3A_31] : memref<10000x128xf32, #tpu.memory_space<hbm>> -> memref<10000x128xf32, #tpu.memory_space<hbm>>
      tpu.wait_indirect_dma semaphore(%arg11 : memref<!tpu.dma_semaphore, #tpu.memory_space<semaphore_mem>>) src(%dma_wait3A_32 : memref<10000x128xf32, #tpu.memory_space<hbm>>) dst(%arg8 : memref<80x128xf32, #tpu.memory_space<vmem>>)
      "tpu.region"() ({
        %run_scoped3A = tpu.sem_alloc : memref<!tpu.dma_semaphore, #tpu.memory_space<semaphore_mem>>
        %dma_start3A_33 = arith.constant 0 : i32
        %dma_start3A_34 = tpu.memref_slice %arg7[%scan3A_22, %dma_start3A_33] : memref<125x80xi32, #tpu.memory_space<vmem>> -> memref<1x80xi32, #tpu.memory_space<vmem>>
        %dma_start3A_35 = tpu.memref_squeeze %dma_start3A_34 : memref<1x80xi32, #tpu.memory_space<vmem>> -> memref<80xi32, #tpu.memory_space<vmem>>
        %dma_start3A_36 = arith.constant 0 : i32
        %dma_start3A_37 = arith.constant 0 : i32
        %dma_start3A_38 = tpu.memref_slice %arg10[%dma_start3A_36, %dma_start3A_37] : memref<10240x128xf32, #tpu.memory_space<vmem_shared>> -> memref<10240x128xf32, #tpu.memory_space<vmem_shared>>
        tpu.enqueue_indirect_dma source(%arg8 : memref<80x128xf32, #tpu.memory_space<vmem>>) target(%dma_start3A_38 : memref<10240x128xf32, #tpu.memory_space<vmem_shared>>) offsets(%dma_start3A_35 : memref<80xi32, #tpu.memory_space<vmem>>) semaphore(%run_scoped3A : memref<!tpu.dma_semaphore, #tpu.memory_space<semaphore_mem>>) {add = true}
        %dma_wait3A_39 = arith.constant 0 : i32
        %dma_wait3A_40 = tpu.memref_slice %arg7[%scan3A_22, %dma_wait3A_39] : memref<125x80xi32, #tpu.memory_space<vmem>> -> memref<1x80xi32, #tpu.memory_space<vmem>>
        %dma_wait3A_41 = tpu.memref_squeeze %dma_wait3A_40 : memref<1x80xi32, #tpu.memory_space<vmem>> -> memref<80xi32, #tpu.memory_space<vmem>>
        %dma_wait3A_42 = arith.constant 0 : i32
        %dma_wait3A_43 = arith.constant 0 : i32
        %dma_wait3A_44 = tpu.memref_slice %arg10[%dma_wait3A_42, %dma_wait3A_43] : memref<10240x128xf32, #tpu.memory_space<vmem_shared>> -> memref<10240x128xf32, #tpu.memory_space<vmem_shared>>
        tpu.wait_indirect_dma semaphore(%run_scoped3A : memref<!tpu.dma_semaphore, #tpu.memory_space<semaphore_mem>>) src(%arg8 : memref<80x128xf32, #tpu.memory_space<vmem>>) dst(%dma_wait3A_44 : memref<10240x128xf32, #tpu.memory_space<vmem_shared>>)
        tpu.yield
      }) : () -> ()
    }
    %scan3A_20 = arith.constant 125 : i32
    %barrier3A_21 = arith.constant 0 : index
    tpu.barrier barrier_id(%barrier3A_21)
    "tpu.region"() ({
      %run_scoped3A = tpu.sem_alloc : memref<!tpu.dma_semaphore, #tpu.memory_space<semaphore_mem>>
      %dma_start3A = arith.constant 0 : i32
      %dma_start3A_22 = tpu.memref_slice %arg5[%arg0, %mul3A_8, %dma_start3A] : memref<2x10240x128xf32, #tpu.memory_space<hbm>> -> memref<1x640x128xf32, #tpu.memory_space<hbm>>
      %dma_start3A_23 = tpu.memref_squeeze %dma_start3A_22 : memref<1x640x128xf32, #tpu.memory_space<hbm>> -> memref<640x128xf32, #tpu.memory_space<hbm>>
      %dma_start3A_24 = arith.constant 0 : i32
      %dma_start3A_25 = tpu.memref_slice %arg10[%mul3A_8, %dma_start3A_24] : memref<10240x128xf32, #tpu.memory_space<vmem_shared>> -> memref<640x128xf32, #tpu.memory_space<vmem_shared>>
      tpu.enqueue_dma source(%dma_start3A_25 : memref<640x128xf32, #tpu.memory_space<vmem_shared>>) target(%dma_start3A_23 : memref<640x128xf32, #tpu.memory_space<hbm>>) target_semaphore(%run_scoped3A : memref<!tpu.dma_semaphore, #tpu.memory_space<semaphore_mem>>)
      %dma_wait3A = arith.constant 0 : i32
      %dma_wait3A_26 = tpu.memref_slice %arg5[%arg0, %mul3A_8, %dma_wait3A] : memref<2x10240x128xf32, #tpu.memory_space<hbm>> -> memref<1x640x128xf32, #tpu.memory_space<hbm>>
      %dma_wait3A_27 = tpu.memref_squeeze %dma_wait3A_26 : memref<1x640x128xf32, #tpu.memory_space<hbm>> -> memref<640x128xf32, #tpu.memory_space<hbm>>
      %dma_wait3A_28 = arith.constant 0 : i32
      %dma_wait3A_29 = tpu.memref_slice %arg10[%mul3A_8, %dma_wait3A_28] : memref<10240x128xf32, #tpu.memory_space<vmem_shared>> -> memref<640x128xf32, #tpu.memory_space<vmem_shared>>
      tpu.wait_dma2 semaphore(%run_scoped3A : memref<!tpu.dma_semaphore, #tpu.memory_space<semaphore_mem>>) src(%dma_wait3A_29 : memref<640x128xf32, #tpu.memory_space<vmem_shared>>) dst(%dma_wait3A_27 : memref<640x128xf32, #tpu.memory_space<hbm>>)
      tpu.yield
    }) : () -> ()
    return
  }
}

module attributes {stable_mosaic.version = 14 : i64} {
  func.func @body(%arg0: i32, %arg1: memref<1000x128xf32, #tpu.memory_space<vmem>>, %arg2: memref<128x128xf32, #tpu.memory_space<vmem>>, %arg3: memref<1x128xf32, #tpu.memory_space<vmem>>, %arg4: memref<1000x128xf32, #tpu.memory_space<vmem>>) attributes {dimension_semantics = [#tpu.dimension_semantics<arbitrary>], iteration_bounds = array<i64: 10>, scalar_prefetch = 0 : i64, scratch_operands = 0 : i64, tpu.core_type = #tpu.core_type<tc>, window_params = [{transform_indices = @transform_0, window_bounds = array<i64: 1000, 128>}, {pipeline_mode = #tpu.pipeline_mode<synchronous>, transform_indices = @transform_1, window_bounds = array<i64: 128, 128>}, {pipeline_mode = #tpu.pipeline_mode<synchronous>, transform_indices = @transform_2, window_bounds = array<i64: 1, 128>}, {transform_indices = @transform_3, window_bounds = array<i64: 1000, 128>}]} {
    %get3A = arith.constant 0 : index
    %get3A_0 = arith.constant 0 : index
    %get3A_1 = vector.load %arg1[%get3A, %get3A_0] : memref<1000x128xf32, #tpu.memory_space<vmem>>, vector<1000x128xf32>
    %get3A_2 = arith.constant 0 : index
    %get3A_3 = arith.constant 0 : index
    %get3A_4 = vector.load %arg2[%get3A_2, %get3A_3] : memref<128x128xf32, #tpu.memory_space<vmem>>, vector<128x128xf32>
    %dot_general3A = arith.constant dense<0.000000e+00> : vector<1000x128xf32>
    %dot_general3A_5 = tpu.matmul %get3A_1, %get3A_4, %dot_general3A {dimension_numbers = #tpu.dot_dimension_numbers<[1], [0], [0], [1], [0, 0, 1, 1], [], []>, transpose_lhs_hint = false} : vector<1000x128xf32>, vector<128x128xf32>, vector<1000x128xf32> -> vector<1000x128xf32>
    %get3A_6 = arith.constant 0 : index
    %get3A_7 = arith.constant 0 : index
    %get3A_8 = vector.load %arg3[%get3A_6, %get3A_7] : memref<1x128xf32, #tpu.memory_space<vmem>>, vector<1x128xf32>
    %add3A = vector.broadcast %get3A_8 : vector<1x128xf32> to vector<1000x128xf32>
    %add3A_9 = arith.addf %dot_general3A_5, %add3A : vector<1000x128xf32>
    %swap3A = arith.constant 0 : index
    %swap3A_10 = arith.constant 0 : index
    %swap3A_11 = vector.load %arg4[%swap3A, %swap3A_10] : memref<1000x128xf32, #tpu.memory_space<vmem>>, vector<1000x128xf32>
    tpu.vector_store %arg4[%swap3A, %swap3A_10], %add3A_9 {strides = array<i32>} : memref<1000x128xf32, #tpu.memory_space<vmem>>, vector<1000x128xf32>,
    return
  }
  func.func @transform_0(%arg0: i32) -> (i32, i32) {
    %c0_i32 = arith.constant 0 : i32
    %c0_i32_0 = arith.constant 0 : i32
    return %arg0, %c0_i32 : i32, i32
  }
  func.func @transform_1(%arg0: i32) -> (i32, i32) {
    %c0_i32 = arith.constant 0 : i32
    %c0_i32_0 = arith.constant 0 : i32
    %c0_i32_1 = arith.constant 0 : i32
    return %c0_i32, %c0_i32_0 : i32, i32
  }
  func.func @transform_2(%arg0: i32) -> (i32, i32) {
    %c0_i32 = arith.constant 0 : i32
    %c0_i32_0 = arith.constant 0 : i32
    %c0_i32_1 = arith.constant 0 : i32
    return %c0_i32, %c0_i32_0 : i32, i32
  }
  func.func @transform_3(%arg0: i32) -> (i32, i32) {
    %c0_i32 = arith.constant 0 : i32
    %c0_i32_0 = arith.constant 0 : i32
    return %arg0, %c0_i32 : i32, i32
  }
}

module attributes {stable_mosaic.version = 14 : i64} {
  func.func @body(%arg0: i32, %arg1: memref<2x1000x128xf32, #tpu.memory_space<vmem>>, %arg2: memref<1000x32xf32, #tpu.memory_space<vmem>>, %arg3: memref<1000x128xf32, #tpu.memory_space<vmem>>, %arg4: memref<128x128xf32, #tpu.memory_space<vmem>>, %arg5: memref<128x128xf32, #tpu.memory_space<vmem>>, %arg6: memref<1x128xf32, #tpu.memory_space<vmem>>, %arg7: memref<1000x128xf32, #tpu.memory_space<vmem>>) attributes {dimension_semantics = [#tpu.dimension_semantics<arbitrary>], iteration_bounds = array<i64: 10>, scalar_prefetch = 0 : i64, scratch_operands = 0 : i64, tpu.core_type = #tpu.core_type<tc>, window_params = [{transform_indices = @transform_0, window_bounds = array<i64: 2, 1000, 128>}, {transform_indices = @transform_1, window_bounds = array<i64: 1000, 32>}, {transform_indices = @transform_2, window_bounds = array<i64: 1000, 128>}, {pipeline_mode = #tpu.pipeline_mode<synchronous>, transform_indices = @transform_3, window_bounds = array<i64: 128, 128>}, {pipeline_mode = #tpu.pipeline_mode<synchronous>, transform_indices = @transform_4, window_bounds = array<i64: 128, 128>}, {pipeline_mode = #tpu.pipeline_mode<synchronous>, transform_indices = @transform_5, window_bounds = array<i64: 1, 128>}, {transform_indices = @transform_6, window_bounds = array<i64: 1000, 128>}]} {
    %broadcast_in_dim3A = arith.constant 1.000000e+00 : f32
    %broadcast_in_dim3A_0 = vector.broadcast %broadcast_in_dim3A : f32 to vector<32x1xf32>
    %get3A = arith.constant 0 : index
    %get3A_1 = arith.constant 0 : index
    %get3A_2 = vector.load %arg2[%get3A, %get3A_1] : memref<1000x32xf32, #tpu.memory_space<vmem>>, vector<1000x32xf32>
    %dot_general3A = arith.constant dense<0.000000e+00> : vector<1000x1xf32>
    %dot_general3A_3 = tpu.matmul %get3A_2, %broadcast_in_dim3A_0, %dot_general3A {dimension_numbers = #tpu.dot_dimension_numbers<[1], [0], [0], [1], [0, 0, 1, 1], [], []>, transpose_lhs_hint = false} : vector<1000x32xf32>, vector<32x1xf32>, vector<1000x1xf32> -> vector<1000x1xf32>
    %get3A_4 = arith.constant 0 : index
    %get3A_5 = arith.constant 0 : index
    %get3A_6 = arith.constant 0 : index
    %get3A_7 = vector.load %arg1[%get3A_4, %get3A_5, %get3A_6] : memref<2x1000x128xf32, #tpu.memory_space<vmem>>, vector<1x1000x128xf32>
    %get3A_8 = vector.shape_cast %get3A_7 : vector<1x1000x128xf32> to vector<1000x128xf32>
    %get3A_9 = arith.constant 1 : index
    %get3A_10 = arith.constant 0 : index
    %get3A_11 = arith.constant 0 : index
    %get3A_12 = vector.load %arg1[%get3A_9, %get3A_10, %get3A_11] : memref<2x1000x128xf32, #tpu.memory_space<vmem>>, vector<1x1000x128xf32>
    %get3A_13 = vector.shape_cast %get3A_12 : vector<1x1000x128xf32> to vector<1000x128xf32>
    %add3A = arith.addf %get3A_8, %get3A_13 : vector<1000x128xf32>
    %max3A = arith.constant 1.000000e+00 : f32
    %max3A_14 = vector.broadcast %max3A : f32 to vector<1000x1xf32>
    %max3A_15 = arith.maximumf %dot_general3A_3, %max3A_14 : vector<1000x1xf32>
    %div3A = vector.broadcast %max3A_15 : vector<1000x1xf32> to vector<1000x128xf32>
    %div3A_16 = arith.divf %add3A, %div3A : vector<1000x128xf32>
    %get3A_17 = arith.constant 0 : index
    %get3A_18 = arith.constant 0 : index
    %get3A_19 = vector.load %arg4[%get3A_17, %get3A_18] : memref<128x128xf32, #tpu.memory_space<vmem>>, vector<128x128xf32>
    %dot_general3A_20 = arith.constant dense<0.000000e+00> : vector<1000x128xf32>
    %dot_general3A_21 = tpu.matmul %div3A_16, %get3A_19, %dot_general3A_20 {dimension_numbers = #tpu.dot_dimension_numbers<[1], [0], [0], [1], [0, 0, 1, 1], [], []>, transpose_lhs_hint = false} : vector<1000x128xf32>, vector<128x128xf32>, vector<1000x128xf32> -> vector<1000x128xf32>
    %get3A_22 = arith.constant 0 : index
    %get3A_23 = arith.constant 0 : index
    %get3A_24 = vector.load %arg3[%get3A_22, %get3A_23] : memref<1000x128xf32, #tpu.memory_space<vmem>>, vector<1000x128xf32>
    %get3A_25 = arith.constant 0 : index
    %get3A_26 = arith.constant 0 : index
    %get3A_27 = vector.load %arg5[%get3A_25, %get3A_26] : memref<128x128xf32, #tpu.memory_space<vmem>>, vector<128x128xf32>
    %dot_general3A_28 = arith.constant dense<0.000000e+00> : vector<1000x128xf32>
    %dot_general3A_29 = tpu.matmul %get3A_24, %get3A_27, %dot_general3A_28 {dimension_numbers = #tpu.dot_dimension_numbers<[1], [0], [0], [1], [0, 0, 1, 1], [], []>, transpose_lhs_hint = false} : vector<1000x128xf32>, vector<128x128xf32>, vector<1000x128xf32> -> vector<1000x128xf32>
    %add3A_30 = arith.addf %dot_general3A_21, %dot_general3A_29 : vector<1000x128xf32>
    %get3A_31 = arith.constant 0 : index
    %get3A_32 = arith.constant 0 : index
    %get3A_33 = vector.load %arg6[%get3A_31, %get3A_32] : memref<1x128xf32, #tpu.memory_space<vmem>>, vector<1x128xf32>
    %add3A_34 = vector.broadcast %get3A_33 : vector<1x128xf32> to vector<1000x128xf32>
    %add3A_35 = arith.addf %add3A_30, %add3A_34 : vector<1000x128xf32>
    %max3A_36 = arith.constant 0.000000e+00 : f32
    %max3A_37 = vector.broadcast %max3A_36 : f32 to vector<1000x128xf32>
    %max3A_38 = arith.maximumf %add3A_35, %max3A_37 : vector<1000x128xf32>
    %swap3A = arith.constant 0 : index
    %swap3A_39 = arith.constant 0 : index
    %swap3A_40 = vector.load %arg7[%swap3A, %swap3A_39] : memref<1000x128xf32, #tpu.memory_space<vmem>>, vector<1000x128xf32>
    tpu.vector_store %arg7[%swap3A, %swap3A_39], %max3A_38 {strides = array<i32>} : memref<1000x128xf32, #tpu.memory_space<vmem>>, vector<1000x128xf32>,
    return
  }
  func.func @transform_0(%arg0: i32) -> (i32, i32, i32) {
    %c0_i32 = arith.constant 0 : i32
    %c0_i32_0 = arith.constant 0 : i32
    %c0_i32_1 = arith.constant 0 : i32
    return %c0_i32, %arg0, %c0_i32_0 : i32, i32, i32
  }
  func.func @transform_1(%arg0: i32) -> (i32, i32) {
    %c0_i32 = arith.constant 0 : i32
    %c0_i32_0 = arith.constant 0 : i32
    return %arg0, %c0_i32 : i32, i32
  }
  func.func @transform_2(%arg0: i32) -> (i32, i32) {
    %c0_i32 = arith.constant 0 : i32
    %c0_i32_0 = arith.constant 0 : i32
    return %arg0, %c0_i32 : i32, i32
  }
  func.func @transform_3(%arg0: i32) -> (i32, i32) {
    %c0_i32 = arith.constant 0 : i32
    %c0_i32_0 = arith.constant 0 : i32
    %c0_i32_1 = arith.constant 0 : i32
    return %c0_i32, %c0_i32_0 : i32, i32
  }
  func.func @transform_4(%arg0: i32) -> (i32, i32) {
    %c0_i32 = arith.constant 0 : i32
    %c0_i32_0 = arith.constant 0 : i32
    %c0_i32_1 = arith.constant 0 : i32
    return %c0_i32, %c0_i32_0 : i32, i32
  }
  func.func @transform_5(%arg0: i32) -> (i32, i32) {
    %c0_i32 = arith.constant 0 : i32
    %c0_i32_0 = arith.constant 0 : i32
    %c0_i32_1 = arith.constant 0 : i32
    return %c0_i32, %c0_i32_0 : i32, i32
  }
  func.func @transform_6(%arg0: i32) -> (i32, i32) {
    %c0_i32 = arith.constant 0 : i32
    %c0_i32_0 = arith.constant 0 : i32
    return %arg0, %c0_i32 : i32, i32
  }
}

module attributes {stable_mosaic.version = 14 : i64} {
  func.func @body(%arg0: i32, %arg1: memref<2x1000x128xf32, #tpu.memory_space<vmem>>, %arg2: memref<1000x32xf32, #tpu.memory_space<vmem>>, %arg3: memref<1000x128xf32, #tpu.memory_space<vmem>>, %arg4: memref<128x128xf32, #tpu.memory_space<vmem>>, %arg5: memref<128x128xf32, #tpu.memory_space<vmem>>, %arg6: memref<1x128xf32, #tpu.memory_space<vmem>>, %arg7: memref<128x128xf32, #tpu.memory_space<vmem>>, %arg8: memref<1x128xf32, #tpu.memory_space<vmem>>, %arg9: memref<1000x128xf32, #tpu.memory_space<vmem>>) attributes {dimension_semantics = [#tpu.dimension_semantics<arbitrary>], iteration_bounds = array<i64: 10>, scalar_prefetch = 0 : i64, scratch_operands = 0 : i64, tpu.core_type = #tpu.core_type<tc>, window_params = [{transform_indices = @transform_0, window_bounds = array<i64: 2, 1000, 128>}, {transform_indices = @transform_1, window_bounds = array<i64: 1000, 32>}, {transform_indices = @transform_2, window_bounds = array<i64: 1000, 128>}, {pipeline_mode = #tpu.pipeline_mode<synchronous>, transform_indices = @transform_3, window_bounds = array<i64: 128, 128>}, {pipeline_mode = #tpu.pipeline_mode<synchronous>, transform_indices = @transform_4, window_bounds = array<i64: 128, 128>}, {pipeline_mode = #tpu.pipeline_mode<synchronous>, transform_indices = @transform_5, window_bounds = array<i64: 1, 128>}, {pipeline_mode = #tpu.pipeline_mode<synchronous>, transform_indices = @transform_6, window_bounds = array<i64: 128, 128>}, {pipeline_mode = #tpu.pipeline_mode<synchronous>, transform_indices = @transform_7, window_bounds = array<i64: 1, 128>}, {transform_indices = @transform_8, window_bounds = array<i64: 1000, 128>}]} {
    %broadcast_in_dim3A = arith.constant 1.000000e+00 : f32
    %broadcast_in_dim3A_0 = vector.broadcast %broadcast_in_dim3A : f32 to vector<32x1xf32>
    %get3A = arith.constant 0 : index
    %get3A_1 = arith.constant 0 : index
    %get3A_2 = vector.load %arg2[%get3A, %get3A_1] : memref<1000x32xf32, #tpu.memory_space<vmem>>, vector<1000x32xf32>
    %dot_general3A = arith.constant dense<0.000000e+00> : vector<1000x1xf32>
    %dot_general3A_3 = tpu.matmul %get3A_2, %broadcast_in_dim3A_0, %dot_general3A {dimension_numbers = #tpu.dot_dimension_numbers<[1], [0], [0], [1], [0, 0, 1, 1], [], []>, transpose_lhs_hint = false} : vector<1000x32xf32>, vector<32x1xf32>, vector<1000x1xf32> -> vector<1000x1xf32>
    %get3A_4 = arith.constant 0 : index
    %get3A_5 = arith.constant 0 : index
    %get3A_6 = arith.constant 0 : index
    %get3A_7 = vector.load %arg1[%get3A_4, %get3A_5, %get3A_6] : memref<2x1000x128xf32, #tpu.memory_space<vmem>>, vector<1x1000x128xf32>
    %get3A_8 = vector.shape_cast %get3A_7 : vector<1x1000x128xf32> to vector<1000x128xf32>
    %get3A_9 = arith.constant 1 : index
    %get3A_10 = arith.constant 0 : index
    %get3A_11 = arith.constant 0 : index
    %get3A_12 = vector.load %arg1[%get3A_9, %get3A_10, %get3A_11] : memref<2x1000x128xf32, #tpu.memory_space<vmem>>, vector<1x1000x128xf32>
    %get3A_13 = vector.shape_cast %get3A_12 : vector<1x1000x128xf32> to vector<1000x128xf32>
    %add3A = arith.addf %get3A_8, %get3A_13 : vector<1000x128xf32>
    %max3A = arith.constant 1.000000e+00 : f32
    %max3A_14 = vector.broadcast %max3A : f32 to vector<1000x1xf32>
    %max3A_15 = arith.maximumf %dot_general3A_3, %max3A_14 : vector<1000x1xf32>
    %div3A = vector.broadcast %max3A_15 : vector<1000x1xf32> to vector<1000x128xf32>
    %div3A_16 = arith.divf %add3A, %div3A : vector<1000x128xf32>
    %get3A_17 = arith.constant 0 : index
    %get3A_18 = arith.constant 0 : index
    %get3A_19 = vector.load %arg4[%get3A_17, %get3A_18] : memref<128x128xf32, #tpu.memory_space<vmem>>, vector<128x128xf32>
    %dot_general3A_20 = arith.constant dense<0.000000e+00> : vector<1000x128xf32>
    %dot_general3A_21 = tpu.matmul %div3A_16, %get3A_19, %dot_general3A_20 {dimension_numbers = #tpu.dot_dimension_numbers<[1], [0], [0], [1], [0, 0, 1, 1], [], []>, transpose_lhs_hint = false} : vector<1000x128xf32>, vector<128x128xf32>, vector<1000x128xf32> -> vector<1000x128xf32>
    %get3A_22 = arith.constant 0 : index
    %get3A_23 = arith.constant 0 : index
    %get3A_24 = vector.load %arg3[%get3A_22, %get3A_23] : memref<1000x128xf32, #tpu.memory_space<vmem>>, vector<1000x128xf32>
    %get3A_25 = arith.constant 0 : index
    %get3A_26 = arith.constant 0 : index
    %get3A_27 = vector.load %arg5[%get3A_25, %get3A_26] : memref<128x128xf32, #tpu.memory_space<vmem>>, vector<128x128xf32>
    %dot_general3A_28 = arith.constant dense<0.000000e+00> : vector<1000x128xf32>
    %dot_general3A_29 = tpu.matmul %get3A_24, %get3A_27, %dot_general3A_28 {dimension_numbers = #tpu.dot_dimension_numbers<[1], [0], [0], [1], [0, 0, 1, 1], [], []>, transpose_lhs_hint = false} : vector<1000x128xf32>, vector<128x128xf32>, vector<1000x128xf32> -> vector<1000x128xf32>
    %add3A_30 = arith.addf %dot_general3A_21, %dot_general3A_29 : vector<1000x128xf32>
    %get3A_31 = arith.constant 0 : index
    %get3A_32 = arith.constant 0 : index
    %get3A_33 = vector.load %arg6[%get3A_31, %get3A_32] : memref<1x128xf32, #tpu.memory_space<vmem>>, vector<1x128xf32>
    %add3A_34 = vector.broadcast %get3A_33 : vector<1x128xf32> to vector<1000x128xf32>
    %add3A_35 = arith.addf %add3A_30, %add3A_34 : vector<1000x128xf32>
    %max3A_36 = arith.constant 0.000000e+00 : f32
    %max3A_37 = vector.broadcast %max3A_36 : f32 to vector<1000x128xf32>
    %max3A_38 = arith.maximumf %add3A_35, %max3A_37 : vector<1000x128xf32>
    %get3A_39 = arith.constant 0 : index
    %get3A_40 = arith.constant 0 : index
    %get3A_41 = vector.load %arg7[%get3A_39, %get3A_40] : memref<128x128xf32, #tpu.memory_space<vmem>>, vector<128x128xf32>
    %dot_general3A_42 = arith.constant dense<0.000000e+00> : vector<1000x128xf32>
    %dot_general3A_43 = tpu.matmul %max3A_38, %get3A_41, %dot_general3A_42 {dimension_numbers = #tpu.dot_dimension_numbers<[1], [0], [0], [1], [0, 0, 1, 1], [], []>, transpose_lhs_hint = false} : vector<1000x128xf32>, vector<128x128xf32>, vector<1000x128xf32> -> vector<1000x128xf32>
    %get3A_44 = arith.constant 0 : index
    %get3A_45 = arith.constant 0 : index
    %get3A_46 = vector.load %arg8[%get3A_44, %get3A_45] : memref<1x128xf32, #tpu.memory_space<vmem>>, vector<1x128xf32>
    %add3A_47 = vector.broadcast %get3A_46 : vector<1x128xf32> to vector<1000x128xf32>
    %add3A_48 = arith.addf %dot_general3A_43, %add3A_47 : vector<1000x128xf32>
    %swap3A = arith.constant 0 : index
    %swap3A_49 = arith.constant 0 : index
    %swap3A_50 = vector.load %arg9[%swap3A, %swap3A_49] : memref<1000x128xf32, #tpu.memory_space<vmem>>, vector<1000x128xf32>
    tpu.vector_store %arg9[%swap3A, %swap3A_49], %add3A_48 {strides = array<i32>} : memref<1000x128xf32, #tpu.memory_space<vmem>>, vector<1000x128xf32>,
    return
  }
  func.func @transform_0(%arg0: i32) -> (i32, i32, i32) {
    %c0_i32 = arith.constant 0 : i32
    %c0_i32_0 = arith.constant 0 : i32
    %c0_i32_1 = arith.constant 0 : i32
    return %c0_i32, %arg0, %c0_i32_0 : i32, i32, i32
  }
  func.func @transform_1(%arg0: i32) -> (i32, i32) {
    %c0_i32 = arith.constant 0 : i32
    %c0_i32_0 = arith.constant 0 : i32
    return %arg0, %c0_i32 : i32, i32
  }
  func.func @transform_2(%arg0: i32) -> (i32, i32) {
    %c0_i32 = arith.constant 0 : i32
    %c0_i32_0 = arith.constant 0 : i32
    return %arg0, %c0_i32 : i32, i32
  }
  func.func @transform_3(%arg0: i32) -> (i32, i32) {
    %c0_i32 = arith.constant 0 : i32
    %c0_i32_0 = arith.constant 0 : i32
    %c0_i32_1 = arith.constant 0 : i32
    return %c0_i32, %c0_i32_0 : i32, i32
  }
  func.func @transform_4(%arg0: i32) -> (i32, i32) {
    %c0_i32 = arith.constant 0 : i32
    %c0_i32_0 = arith.constant 0 : i32
    %c0_i32_1 = arith.constant 0 : i32
    return %c0_i32, %c0_i32_0 : i32, i32
  }
  func.func @transform_5(%arg0: i32) -> (i32, i32) {
    %c0_i32 = arith.constant 0 : i32
    %c0_i32_0 = arith.constant 0 : i32
    %c0_i32_1 = arith.constant 0 : i32
    return %c0_i32, %c0_i32_0 : i32, i32
  }
  func.func @transform_6(%arg0: i32) -> (i32, i32) {
    %c0_i32 = arith.constant 0 : i32
    %c0_i32_0 = arith.constant 0 : i32
    %c0_i32_1 = arith.constant 0 : i32
    return %c0_i32, %c0_i32_0 : i32, i32
  }
  func.func @transform_7(%arg0: i32) -> (i32, i32) {
    %c0_i32 = arith.constant 0 : i32
    %c0_i32_0 = arith.constant 0 : i32
    %c0_i32_1 = arith.constant 0 : i32
    return %c0_i32, %c0_i32_0 : i32, i32
  }
  func.func @transform_8(%arg0: i32) -> (i32, i32) {
    %c0_i32 = arith.constant 0 : i32
    %c0_i32_0 = arith.constant 0 : i32
    return %arg0, %c0_i32 : i32, i32
  }
}

</mosaic_0001>

<sc_bundles>
// kernel: kernel.11.cloned.1.call-start
scs
__scs_entry_jumppad:
0x0: {  	(pc) =	sbr.rel $0x88, $3  }
0x1: {  	(tag) =	ssettag $0x0;
	lr =	simm.s32 $0x1  }
0x2: {  	[smem:$0x3F98] =	sst lr;
	_ =	strace $0xD0000000  }
0x3: {  	_ = 	snop  }
0x4: {  	_ = 	snop  }
0x5: {  	_ = 	snop  }
0x6: {  	_ = 	snop  }
0x7: {  	_ = 	snop  }
__scs_overlays_trampoline_lowered:
0x8: {  	[smem:$0x3FA7] =	sst s0  }
0x9: {  	[smem:$0x3FA8] =	sst s1  }
0xa: {  	[smem:$0x3FA9] =	sst s2  }
0xb: {  	[smem:$0x3FAA] =	sst s3  }
0xc: {  	[smem:$0x3FAB] =	sst s4  }
0xd: {  	[smem:$0x3FAC] =	sst s5  }
0xe: {  	[smem:$0x3FAD] =	sst s6  }
0xf: {  	[smem:$0x3FAE] =	sst s7  }
0x10: {  	[smem:$0x3FAF] =	sst s8  }
0x11: {  	[smem:$0x3FB0] =	sst s9;
	s0 =	simm.s32 @!p0 $0x0  }
0x12: {  	s1 =	sld [smem:$0x3F96];
	s0 =	simm.s32 @p0 $0x1  }
0x13: {  	[smem:$0x3FB1] =	sst s0;
	s0 =	simm.s32 @!p1 $0x0  }
0x14: {  	s2 =	sld [smem:$0x3F95];
	s0 =	simm.s32 @p1 $0x1  }
0x15: {  	[smem:$0x3FB2] =	sst s0;
	s0 =	simm.s32 @!p2 $0x0  }
0x16: {  	s3 =	sld [smem:$0x3FDB];
	s0 =	simm.s32 @p2 $0x1  }
0x17: {  	s4 =	simm.s32 $0x1BF5;
	[smem:$0x3FB4] =	sst s0  }
0x18: {  	s0 =	sld [smem:$0x3F97];
	_ =	swait.ge [sflag:s4], $0x0  }
0x19: {  	s7 =	sld [smem:$0x3F98]  }
0x1a: {  	s8 =	sadd.s32 $0xFFFFE003, lr  }
0x1b: {  	s9 =	sadd.s32 $0xFFFFFEF7, lr;
	s5 =	simm.s32 $0xFFFFFFFF;
	p2 =	slt.u32 s8, $0xFFFFF086  }
0x1c: {  	p1 =	slt.u32 s9, $0xF7A;
	s5 =	simm.s32 @!p2 $0x0  }
0x1d: {  	s5 =	simm.s32 @p1 $0x1;
	p0 =	seq.s32 s7, s2  }
0x1e: {  	s7 =	smul.u32 @!p0 $0xF7A, s2;
	p2 =	seq.s32 @!p0 s5, $0x0  }
0x1f: {  	s9 =	smul.u32 $0xF7A, s1;
	s8 =	simm.s32 @!p0 $0x1BF5;
	p2 =	por !p2, p0  }
0x20: {  	[sflag:s8] =	ssyncset.s32 @!p0 $0xFFFFF086;
	s6 =	sadd.s32 @!p0 s3, s7;
	s7 =	simm.s32 @!p0 $0x108  }
0x21: {  	s3 =	sadd.s32 s3, s9;
	s6 =	sadd.s32 @!p0 $0x88, s6;
	s7 =	simm.s32 @p2 $0x1082  }
0x22: {  	[simem:s7], [sflag:s8] =	dma.local @!p0 [hbm:s6], $0xF7A  }
0x23: {  	s9 =	sor.u32 $0xD0000000, s2;
	s6 =	simm.s32 $0x108;
	_ =	swait.ge @!p0 [sflag:s8], $0x0  }
0x24: {  	s3 =	sadd.s32 $0x88, s3;
	s6 =	simm.s32 @!p1 $0x1082;
	[sflag:s4] =	ssyncset.s32 $0xFFFFF086  }
0x25: {  	[simem:s6], [sflag:s4] =	dma.local [hbm:s3], $0xF7A  }
0x26: {  	[smem:$0x3F98] =	sst s1;
	(tag) =	ssettag s2;
	_ =	strace s9  }
0x27: {  	s1 =	sld [smem:$0x3FA8]  }
0x28: {  	s2 =	sld [smem:$0x3FA9]  }
0x29: {  	s4 =	sld [smem:$0x3FAB]  }
0x2a: {  	p0 =	seq.s32 s5, $0x0;
	s5 =	sld [smem:$0x3FAC]  }
0x2b: {  	s6 =	sld [smem:$0x3FAD]  }
0x2c: {  	s7 =	sld [smem:$0x3FAE]  }
0x2d: {  	s3 =	simm.s32 $0x108;
	s8 =	sld [smem:$0x3FAF]  }
0x2e: {  	s3 =	simm.s32 @!p0 $0x1082;
	s9 =	sld [smem:$0x3FB0]  }
0x2f: {  	lr =	sadd.s32 s0, s3;
	s0 =	sld [smem:$0x3FA7]  }
0x30: {  	s3 =	sld [smem:$0x3FAA]  }
0x31: {  	[smem:$0x3FB3] =	sst s10  }
0x32: {  	s10 =	sld [smem:$0x3FB1];
	_ =	sdelay $0x3  }
0x33: {  	p0 =	seq.s32 s10, $0x1;
	s10 =	sld [smem:$0x3FB3];
	_ =	sdelay $0x3  }
0x34: {  	[smem:$0x3FB3] =	sst s10  }
0x35: {  	s10 =	sld [smem:$0x3FB2];
	_ =	sdelay $0x3  }
0x36: {  	p1 =	seq.s32 s10, $0x1;
	s10 =	sld [smem:$0x3FB3];
	_ =	sdelay $0x3  }
0x37: {  	[smem:$0x3FB3] =	sst s10  }
0x38: {  	s10 =	sld [smem:$0x3FB4]  }
0x39: {  	_ = 	snop;
	(pc) =	sbr.ind lr, $3  }
0x3a: {  	_ = 	snop  }
0x3b: {  	_ = 	snop  }
0x3c: {  	p2 =	seq.s32 s10, $0x1;
	s10 =	sld [smem:$0x3FB3]  }
0x3d: {  	_ =	shalt  }
0x3e: {  	_ =	shalt  }
0x3f: {  	_ =	shalt  }
0x40: {  	_ =	shalt  }
0x41: {  	_ =	shalt  }
0x42: {  	_ =	shalt  }
0x43: {  	_ =	shalt  }
0x44: {  	_ =	shalt  }
0x45: {  	_ =	shalt  }
0x46: {  	_ =	shalt  }
0x47: {  	_ =	shalt  }
0x48: {  	_ =	shalt  }
0x49: {  	_ =	shalt  }
0x4a: {  	_ =	shalt  }
0x4b: {  	_ =	shalt  }
0x4c: {  	_ =	shalt  }
0x4d: {  	_ =	shalt  }
0x4e: {  	_ =	shalt  }
0x4f: {  	_ =	shalt  }
0x50: {  	_ =	shalt  }
0x51: {  	_ =	shalt  }
0x52: {  	_ =	shalt  }
0x53: {  	_ =	shalt  }
0x54: {  	_ =	shalt  }
0x55: {  	_ =	shalt  }
0x56: {  	_ =	shalt  }
0x57: {  	_ =	shalt  }
0x58: {  	_ =	shalt  }
0x59: {  	_ =	shalt  }
0x5a: {  	_ =	shalt  }
0x5b: {  	_ =	shalt  }
0x5c: {  	_ =	shalt  }
0x5d: {  	_ =	shalt  }
0x5e: {  	_ =	shalt  }
0x5f: {  	_ =	shalt  }
0x60: {  	_ =	shalt  }
0x61: {  	_ =	shalt  }
0x62: {  	_ =	shalt  }
0x63: {  	_ =	shalt  }
0x64: {  	_ =	shalt  }
0x65: {  	_ =	shalt  }
0x66: {  	_ =	shalt  }
0x67: {  	_ =	shalt  }
0x68: {  	_ =	shalt  }
0x69: {  	_ =	shalt  }
0x6a: {  	_ =	shalt  }
0x6b: {  	_ =	shalt  }
0x6c: {  	_ =	shalt  }
0x6d: {  	_ =	shalt  }
0x6e: {  	_ =	shalt  }
0x6f: {  	_ =	shalt  }
0x70: {  	_ =	shalt  }
0x71: {  	_ =	shalt  }
0x72: {  	_ =	shalt  }
0x73: {  	_ =	shalt  }
0x74: {  	_ =	shalt  }
0x75: {  	_ =	shalt  }
0x76: {  	_ =	shalt  }
0x77: {  	_ =	shalt  }
0x78: {  	_ =	shalt  }
0x79: {  	_ =	shalt  }
0x7a: {  	_ =	shalt  }
0x7b: {  	_ =	shalt  }
0x7c: {  	_ =	shalt  }
0x7d: {  	_ =	shalt  }
0x7e: {  	_ =	shalt  }
0x7f: {  	_ =	shalt  }
0x80: {  	_ =	shalt  }
0x81: {  	_ =	shalt  }
0x82: {  	_ =	shalt  }
0x83: {  	_ =	shalt  }
0x84: {  	_ =	shalt  }
0x85: {  	_ =	shalt  }
0x86: {  	_ =	shalt  }
0x87: {  	_ =	shalt  }
.Lfunc_end0:
.L_simem_size_0:
called_computation.1_lowered:
.L_overlay_start_0:
0x88: {  	s2 =	sld [smem:$0x3FD9]  }
0x89: {  	s3 =	sld [smem:$0x3FFE];
	_ =	sdelay $0x1  }
0x8a: {  	s1 =	srdreg.scid  }
0x8b: {  	s0 =	sand.u32 $0x1, s1  }
0x8c: {  	s17 =	sshll.u32 s0, $0xA;
	s2 =	sadd.s32 s3, s2  }
0x8d: {  	s2 =	sadd.s32 s2, s17  }
0x8e: {  	[smem:$0x3FBF] =	sst s2  }
0x8f: {  	_ = 	snop  }
0x90: {  	s18 =	sld [smem:$0x3FD0];
	(tm) =	ssettm $0x1  }
0x91: {  	s19 =	sld [smem:$0x3FFB];
	_ =	sdelay $0x3  }
0x92: {  	_ =	strace s19  }
0x93: {  	s2 =	sld [smem:$0x3FFC];
	_ =	sdelay $0x3  }
0x94: {  	_ =	strace s2  }
0x95: {  	s2 =	sld [smem:$0x3FFD];
	_ =	sdelay $0x3  }
0x96: {  	_ =	strace s2  }
0x97: {  	_ =	strace $0x8FFFFFFF  }
0x98: {  	s20 =	sld [smem:$0x3FDB];
	_ =	sdelay $0x1  }
0x99: {  	s4 =	simm.s32 $_scs_section_size  }
0x9a: {  	s5 =	simm.s32 $_size__tile_overlayer_lowered;
	s6 =	simm.s32 $_tile_overlayer_lowered  }
0x9b: {  	s7 =	simm.s32 $0x1BFF;
	s21 =	sshll.u32 s6, $0x1;
	s4 =	sadd.s32 s4, s20  }
0x9c: {  	s22 =	simm.s32 $0x0;
	s5 =	sshll.u32 s5, $0x1;
	s6 =	sadd.s32 s21, s4  }
0x9d: {  	[timem:s22], [sflag:s7] =	dma.local [hbm:s6], s5  }
0x9e: {  	_ =	swait.ge [sflag:s7], s5  }
0x9f: {  	s5 =	ssub.s32 $0x0, s5;
	[sflag:s7] =	ssyncset.done $0x0  }
0xa0: {  	[sflag:s7] =	ssyncadd.s32 s5;
	_ =	sdelay $0x1  }
0xa1: {  	s23 =	simm.s32 $0x1B8B  }
0xa2: {  	_ =	swait.ge [sflag:s23], $0x1  }
0xa3: {  	[sflag:s23] =	ssyncset.done $0x0  }
0xa4: {  	[sflag:s23] =	ssyncadd.s32 $0xFFFFFFFF  }
0xa5: {  	s5 =	sld [smem:$0x0]  }
0xa6: {  	s6 =	sand.u32 $0xFFFFFFFE, s1  }
0xa7: {  	p0 =	sne.s32 s1, s6  }
0xa8: {  	s6 =	sshll.u32 @p0 s6, $0xE  }
0xa9: {  	s6 =	sadd.s32 @p0 $0x11B8D, s6;
	s7 =	sshll.u32 @p0 s5, $0x11  }
0xaa: {  	s6 =	sor.u32 @p0 s7, s6  }
0xab: {  	[sflag:s6] =	ssyncadd.remote.s32 @p0 $0x1;
	_ =	sdelay $0x1  }
0xac: {  	s6 =	simm.s32 @p0 $0x1B8D  }
0xad: {  	_ =	swait.eq @p0 [sflag:s6], $0x1  }
0xae: {  	[sflag:s6] =	ssyncadd.s32 @p0 $0xFFFFFFFF  }
0xaf: {  	s7 =	sshll.u32 @!p0 s1, $0xE  }
0xb0: {  	s7 =	sor.u32 @!p0 $0x4000, s7;
	s6 =	simm.s32 @!p0 $0x1B8D  }
0xb1: {  	s5 =	sshll.u32 @!p0 s5, $0x11;
	s7 =	sadd.s32 @!p0 $0x11B8D, s7;
	_ =	swait.eq @!p0 [sflag:s6], $0x1  }
0xb2: {  	s5 =	sor.u32 @!p0 s5, s7;
	[sflag:s6] =	ssyncadd.s32 @!p0 $0xFFFFFFFF  }
0xb3: {  	s25 =	simm.s32 $0x1B8E;
	s24 =	sld [smem:$0x3FFE];
	[sflag:s5] =	ssyncadd.remote.s32 @!p0 $0x1  }
0xb4: {  	s26 =	simm.s32 $execute0_lowered;
	[smem:$0x3FD2] =	sst s25  }
0xb5: {  	s6 =	sshll.u32 s26, $0x1;
	_ =	strace $0x80000049;
	[dreg:$0x1] =	wrdreg $0xFFFFFFFF  }
0xb6: {  	s28 =	simm.s32 $_size_execute0_lowered;
	s4 =	sadd.s32 s4, s6;
	[dreg:$0x0] =	wrdreg $0x0  }
0xb7: {  	s6 =	sshll.u32 s28, $0x1;
	[dreg:$0x2] =	wrdreg s4  }
0xb8: {  	[dreg:$0x3] =	wrdreg s6  }
0xb9: {  	[dreg:$0x4] =	wrdreg $0xC0  }
0xba: {  	_ =	task [dreg:s22], $0x5FFFF  }
0xbb: {  	[dreg:$0x1] =	wrdreg $0xFFFFFFFF  }
0xbc: {  	[dreg:$0x0] =	wrdreg $0x60  }
0xbd: {  	[dreg:$0x2] =	wrdreg s18  }
0xbe: {  	[dreg:$0x3] =	wrdreg s24  }
0xbf: {  	[dreg:$0x4] =	wrdreg $0xAC000  }
0xc0: {  	[dreg:$0x5] =	wrdreg $0xA  }
0xc1: {  	_ =	task.clear_ibuf [dreg:s22], $0x6FFFF;
	_ =	strace $0x90000049  }
0xc2: {  	s29 =	simm.s32 $0xA;
	_ =	strace $0x8000004B  }
0xc3: {  	_ =	swait.ge [sflag:s29], $0x1  }
0xc4: {  	[sflag:s29] =	ssyncadd.s32 $0xFFFFFFFF  }
0xc5: {  	_ =	strace $0x9000004B  }
0xc6: {  	_ =	sfence  }
0xc7: {  	s30 =	sld [smem:$0x0];
	_ =	sdelay $0x2  }
0xc8: {  	s31 =	sshll.u32 s1, $0xD;
	s1 =	sshrl.u32 s1, $0x2  }
0xc9: {  	s4 =	sand.u32 $0x4000, s31;
	s1 =	sadd.s32 s1, s30  }
0xca: {  	s0 =	sor.u32 s4, s0;
	s1 =	sshll.u32 s1, $0x11  }
0xcb: {  	s0 =	sor.u32 s1, s0  }
0xcc: {  	s0 =	sadd.s32 $0x8F2B, s0  }
0xcd: {  	[sflag:s0] =	ssyncadd.remote.s32 $0x1  }
0xce: {  	_ =	sfence.sel $0xFFFF  }
0xcf: {  	[dreg:$0x0] =	wrdreg $0xFFFFFFFF;
	(pc) =	sbr.abs _section_cstart, $3  }
0xd0: {  	[dreg:$0x1] =	wrdreg $0xFFFFFFFF  }
0xd1: {  	_ =	task.clear_ibuf [dreg:s22], $0x2FFFF;
	_ =	strace $0x9FFFFFFF  }
0xd2: {  	(tm) =	ssettm $0x7FFFFFFF  }
0xd3: {  	_ =	shalt  }
tec
execute0_lowered:
.L_overlay_start_1:
0x0: {  	(tag) =	ssettag $0x1  }
0x1: {  	s1 =	rddreg [dreg:$0x0]  }
0x2: {  	s5 =	rddreg [dreg:$0x1]  }
0x3: {  	s2 =	rddreg [dreg:$0x2]  }
0x4: {  	s3 =	srdreg.scid;
	s0 =	rddreg [dreg:$0x3]  }
0x5: {  	s4 =	simm.s32 $0x0;
	s12 =	simm.s32 $0x4000;
	s13 =	simm.s32 $0x50  }
0x6: {  	s14 =	simm.s32 $0x8000;
	s6 =	sand.u32 $0x1, s3;
	s3 =	stileid.u32  }
0x7: {  	s15 =	simm.s32 $0x1;
	[smem:$0x7FF] =	sst s4;
	s7 =	smul.u32 $0x140000, s6  }
0x8: {  	s8 =	smul.u32 $0x14000, s3;
	_ =	strace $0x8000004A;
	s9 =	sshll.u32 s3, $0xC  }
0x9: {  	s10 =	sshll.u32 s6, $0xB;
	s28 =	smul.u32 $0x50000, s3;
	s6 =	ssub.s32 $0x2, s6  }
0xa: {  	s16 =	sshll.u32 s3, $0x6;
	s9 =	sor.u32 s10, s9;
	s30 =	sshrl.u32 s6, $0x1  }
0xb: {  	s10 =	simm.s32 $0xA800;
	s16 =	sor.u32 $0x1C02, s16;
	s7 =	sadd.s32 s8, s7  }
0xc: {  	s9 =	sadd.s32 s9, s5;
	s31 =	sshrl.u32 s28, $0x2;
	s7 =	sshrl.u32 s7, $0x3  }
0xd: {  	s11 =	ssub.s32 s6, s30;
	s6 =	sadd.s32 $0x1C800, s9;
	s29 =	sadd.s32 s7, s5  }
0xe: {  	s5 =	sadd.s32 s31, s2;
	s7 =	sadd.s32 $0x2800, s9;
	s9 =	smax.u32 s11, $0x1  }
0xf: {  	v0 =	vimm.f32 $0.0e+00;
	s11 =	simm.s32 $0x2;
	s8 =	sadd.s32 $0x2C800, s29;
	s17 =	sshrl.u32 s5, $0x3  }
.LBB2_1:
0x10: {  	s18 =	simm.s32 $0x0;
	s19 =	simm.s32 $0x0  }
.LBB2_2:
0x11: {  	p0 =	sne.s32 s19, $0xFC0  }
.Ltmp0:
0x12: {  	_ = 	snop;
	(pc) =	sbr.rel @p0 .LBB2_2-.Ltmp0, $4  }
0x13: {  	s20 =	sand.u32 $0xE00, s19  }
0x14: {  	s21 =	sand.u32 $0x70, s18;
	s20 =	sshrl.u32 s20, $0x2  }
0x15: {  	s20 =	sor.u32 s21, s20  }
0x16: {  	s18 =	sadd.s32 $0x10, s18;
	s19 =	sadd.s32 $0x40, s19;
	[tilespmem:s20+$0xA800] =	vst v0  }
0x17: {  	s18 =	sadd.s32 $0x0, s5  }
0x18: {  	[spmem:s18] =	stream.linear.scatter [tilespmem:s10], [sflag:$0x2], $0x400, $0x38;
	[tilespmem:$0x1EC00] =	vst v63  }
0x19: {  	s18 =	simm.s32 $0x1000;
	_ =	swait.ge [sflag:s11], $0x400  }
.LBB2_4:
0x1a: {  	s19 =	sshra.s32 s18, $0x2;
	[sflag:s11] =	ssyncset.done $0x0;
	p0 =	sne.s32 s18, $0x4F000  }
.Ltmp1:
0x1b: {  	s19 =	sadd.s32 s19, s5;
	[sflag:s11] =	ssyncadd.s32 $0xFFFFFC00;
	(pc) =	sbr.rel @p0 .LBB2_4-.Ltmp1, $3  }
0x1c: {  	[spmem:s19] =	stream.linear.scatter [tilespmem:s10], [sflag:$0x2], $0x400, $0x38;
	[tilespmem:$0x1EC00] =	vst v63  }
0x1d: {  	s18 =	sadd.s32 $0x1000, s18;
	_ =	sdelay $0x1  }
0x1e: {  	_ =	swait.ge [sflag:s11], $0x400  }
0x1f: {  	[sflag:s11] =	ssyncset.done $0x0  }
0x20: {  	s18 =	simm.s32 $0x0;
	[sflag:s11] =	ssyncadd.s32 $0xFFFFFC00  }
0x21: {  	[tilespmem:s18], [sflag:$0x2] =	stream.linear.gather [hbm4b:s6+s18], $0x3E80, $0x38;
	[tilespmem:$0x1EC00] =	vst v63  }
0x22: {  	_ =	swait.ge [sflag:s11], $0x3E80  }
0x23: {  	[sflag:s11] =	ssyncset.done $0x0  }
0x24: {  	[sflag:s11] =	ssyncadd.s32 $0xFFFFC180  }
0x25: {  	[tilespmem:s12], [sflag:$0x2] =	stream.linear.gather [hbm4b:s7+s18], $0x3E80, $0x38;
	[tilespmem:$0x1EC00] =	vst v63  }
0x26: {  	_ =	swait.ge [sflag:s11], $0x3E80  }
0x27: {  	[sflag:s11] =	ssyncset.done $0x0  }
0x28: {  	[sflag:s11] =	ssyncadd.s32 $0xFFFFC180  }
0x29: {  	s30 =	simm.s32 $0x0;
	[bflag:$0x0] =	sbarrier.arrive $0xFFFF  }
0x2a: {  	[tilespmem:s14], [sflag:$0x1] =	stream.indirect.gather [hbm4b:s1+s13], $0x80, s30, s13, $0xb8;
	[tilespmem:$0x1EC00] =	vst v63  }
0x2b: {  	_ =	swait.ge [sflag:s15], $0x2800  }
0x2c: {  	[sflag:s15] =	ssyncset.done $0x0  }
0x2d: {  	s31 =	simm.s32 $0x4000;
	[sflag:s15] =	ssyncadd.s32 $0xFFFFD800  }
0x2e: {  	[spmem:s2] =	stream.indirect.scatter.add.f32 [tilespmem:s14], [sflag:$0x2], $0x80, s31, s13, $0xb8;
	[tilespmem:$0x1EC00] =	vst v63  }
0x2f: {  	_ =	swait.ge [sflag:s11], $0x2800  }
0x30: {  	s19 =	simm.s32 $0x400;
	s18 =	simm.s32 $0x200;
	[sflag:s11] =	ssyncset.done $0x0  }
.LBB2_6:
0x31: {  	s20 =	sshra.s32 s18, $0x2  }
0x32: {  	[sflag:s11] =	ssyncadd.s32 $0xFFFFD800;
	s18 =	smov.u32 s19;
	s21 =	sadd.s32 $0x200, s19  }
0x33: {  	[tilespmem:s14], [sflag:$0x1] =	stream.indirect.gather [hbm4b:s1+s13], $0x80, s20, s13, $0xb8;
	[tilespmem:$0x1EC00] =	vst v63  }
0x34: {  	p0 =	sne.s32 s19, $0xF800;
	_ =	swait.ge [sflag:s15], $0x2800  }
.Ltmp2:
0x35: {  	[sflag:s15] =	ssyncset.done $0x0;
	(pc) =	sbr.rel @p0 .LBB2_6-.Ltmp2, $4  }
0x36: {  	s19 =	sadd.s32 $0x4000, s20;
	[sflag:s15] =	ssyncadd.s32 $0xFFFFD800  }
0x37: {  	[spmem:s2] =	stream.indirect.scatter.add.f32 [tilespmem:s14], [sflag:$0x2], $0x80, s19, s13, $0xb8;
	[tilespmem:$0x1EC00] =	vst v63  }
0x38: {  	_ =	swait.ge [sflag:s11], $0x2800  }
0x39: {  	s19 =	smov.u32 s21;
	[sflag:s11] =	ssyncset.done $0x0  }
0x3a: {  	s18 =	sshra.s32 s18, $0x2;
	[sflag:s11] =	ssyncadd.s32 $0xFFFFD800  }
0x3b: {  	[tilespmem:s14], [sflag:$0x1] =	stream.indirect.gather [hbm4b:s1+s13], $0x80, s18, s13, $0xb8;
	[tilespmem:$0x1EC00] =	vst v63  }
0x3c: {  	_ =	swait.ge [sflag:s15], $0x2800  }
0x3d: {  	[sflag:s15] =	ssyncset.done $0x0  }
0x3e: {  	s18 =	sadd.s32 $0x4000, s18;
	[sflag:s15] =	ssyncadd.s32 $0xFFFFD800  }
0x3f: {  	[spmem:s2] =	stream.indirect.scatter.add.f32 [tilespmem:s14], [sflag:$0x2], $0x80, s18, s13, $0xb8;
	[tilespmem:$0x1EC00] =	vst v63  }
0x40: {  	_ =	swait.ge [sflag:s11], $0x2800  }
0x41: {  	s4 =	sadd.s32 $0x1, s4;
	[sflag:s11] =	ssyncset.done $0x0  }
0x42: {  	p0 =	sne.s32 s4, s9;
	[sflag:s11] =	ssyncadd.s32 $0xFFFFD800  }
.Ltmp3:
0x43: {  	[bflag:$0x0] =	sbarrier.arrive $0xFFFF;
	(pc) =	sbr.rel @p0 .LBB2_1-.Ltmp3, $4  }
0x44: {  	[hbm:s8], [sflag:s16] =	dma.local [spmem:s17], $0x2800  }
0x45: {  	_ =	swait.ge [sflag:s11], $0x2800  }
0x46: {  	[sflag:s11] =	ssyncset.done $0x0  }
0x47: {  	[sflag:s11] =	ssyncadd.s32 $0xFFFFD800  }
0x48: {  	_ =	sfence.sel $0x180000  }
0x49: {  	[bflag:$0x0] =	sbarrier.arrive $0xFFFF  }
0x4a: {  	p0 =	sne.s32 s3, $0x0;
	_ =	strace $0x9000004A  }
0x4b: {  	s0 =	sadd.s32 @!p0 $0x100000, s0;
	[bflag:$0x2] =	sbarrier.arrive $0xFFFF  }
0x4c: {  	[sflag:s0] =	ssyncadd.tile.s32 @!p0 $0x1;
	_ =	shalt  }
.Lfunc_end2:
_tile_overlayer_lowered:
.L_overlay_start_2:
0x4d: {  	(tag) =	ssettag $0x2  }
0x4e: {  	s0 =	rddreg [dreg:$0x0];
	s2 =	stileid.u32  }
0x4f: {  	s1 =	rddreg [dreg:$0x1];
	p0 =	sne.s32 s2, $0x0  }
0x50: {  	s3 =	rddreg [dreg:$0x2];
	[bflag:$0x3] =	sbarrier.arrive $0xFFFF;
	s2 =	simm.s32 @!p0 $0x1C02  }
0x51: {  	[timem:s3], [sflag:s2] =	dma.local @!p0 [hbm:s0], s1  }
0x52: {  	s0 =	simm.s32 @!p0 $0x2  }
0x53: {  	_ =	swait.ge @!p0 [sflag:s0], s1  }
0x54: {  	s1 =	ssub.s32 @!p0 $0x0, s1;
	[sflag:s0] =	ssyncset.done @!p0 $0x0  }
0x55: {  	[sflag:s0] =	ssyncadd.s32 @!p0 s1  }
0x56: {  	[bflag:$0x3] =	sbarrier.arrive $0xFFFF  }
0x57: {  	_ =	shalt  }

// kernel: kernel.14.cloned.1.call-start
scs
__scs_entry_jumppad:
0x0: {  	(pc) =	sbr.rel $0x88, $3  }
0x1: {  	(tag) =	ssettag $0x0;
	lr =	simm.s32 $0x1  }
0x2: {  	[smem:$0x3F98] =	sst lr;
	_ =	strace $0xD0000000  }
0x3: {  	_ = 	snop  }
0x4: {  	_ = 	snop  }
0x5: {  	_ = 	snop  }
0x6: {  	_ = 	snop  }
0x7: {  	_ = 	snop  }
__scs_overlays_trampoline_lowered:
0x8: {  	[smem:$0x3FA7] =	sst s0  }
0x9: {  	[smem:$0x3FA8] =	sst s1  }
0xa: {  	[smem:$0x3FA9] =	sst s2  }
0xb: {  	[smem:$0x3FAA] =	sst s3  }
0xc: {  	[smem:$0x3FAB] =	sst s4  }
0xd: {  	[smem:$0x3FAC] =	sst s5  }
0xe: {  	[smem:$0x3FAD] =	sst s6  }
0xf: {  	[smem:$0x3FAE] =	sst s7  }
0x10: {  	[smem:$0x3FAF] =	sst s8  }
0x11: {  	[smem:$0x3FB0] =	sst s9;
	s0 =	simm.s32 @!p0 $0x0  }
0x12: {  	s1 =	sld [smem:$0x3F96];
	s0 =	simm.s32 @p0 $0x1  }
0x13: {  	[smem:$0x3FB1] =	sst s0;
	s0 =	simm.s32 @!p1 $0x0  }
0x14: {  	s2 =	sld [smem:$0x3F95];
	s0 =	simm.s32 @p1 $0x1  }
0x15: {  	[smem:$0x3FB2] =	sst s0;
	s0 =	simm.s32 @!p2 $0x0  }
0x16: {  	s3 =	sld [smem:$0x3FDB];
	s0 =	simm.s32 @p2 $0x1  }
0x17: {  	s4 =	simm.s32 $0x1BF5;
	[smem:$0x3FB4] =	sst s0  }
0x18: {  	s0 =	sld [smem:$0x3F97];
	_ =	swait.ge [sflag:s4], $0x0  }
0x19: {  	s7 =	sld [smem:$0x3F98]  }
0x1a: {  	s8 =	sadd.s32 $0xFFFFE003, lr  }
0x1b: {  	s9 =	sadd.s32 $0xFFFFFEF7, lr;
	s5 =	simm.s32 $0xFFFFFFFF;
	p2 =	slt.u32 s8, $0xFFFFF086  }
0x1c: {  	p1 =	slt.u32 s9, $0xF7A;
	s5 =	simm.s32 @!p2 $0x0  }
0x1d: {  	s5 =	simm.s32 @p1 $0x1;
	p0 =	seq.s32 s7, s2  }
0x1e: {  	s7 =	smul.u32 @!p0 $0xF7A, s2;
	p2 =	seq.s32 @!p0 s5, $0x0  }
0x1f: {  	s9 =	smul.u32 $0xF7A, s1;
	s8 =	simm.s32 @!p0 $0x1BF5;
	p2 =	por !p2, p0  }
0x20: {  	[sflag:s8] =	ssyncset.s32 @!p0 $0xFFFFF086;
	s6 =	sadd.s32 @!p0 s3, s7;
	s7 =	simm.s32 @!p0 $0x108  }
0x21: {  	s3 =	sadd.s32 s3, s9;
	s6 =	sadd.s32 @!p0 $0x88, s6;
	s7 =	simm.s32 @p2 $0x1082  }
0x22: {  	[simem:s7], [sflag:s8] =	dma.local @!p0 [hbm:s6], $0xF7A  }
0x23: {  	s9 =	sor.u32 $0xD0000000, s2;
	s6 =	simm.s32 $0x108;
	_ =	swait.ge @!p0 [sflag:s8], $0x0  }
0x24: {  	s3 =	sadd.s32 $0x88, s3;
	s6 =	simm.s32 @!p1 $0x1082;
	[sflag:s4] =	ssyncset.s32 $0xFFFFF086  }
0x25: {  	[simem:s6], [sflag:s4] =	dma.local [hbm:s3], $0xF7A  }
0x26: {  	[smem:$0x3F98] =	sst s1;
	(tag) =	ssettag s2;
	_ =	strace s9  }
0x27: {  	s1 =	sld [smem:$0x3FA8]  }
0x28: {  	s2 =	sld [smem:$0x3FA9]  }
0x29: {  	s4 =	sld [smem:$0x3FAB]  }
0x2a: {  	p0 =	seq.s32 s5, $0x0;
	s5 =	sld [smem:$0x3FAC]  }
0x2b: {  	s6 =	sld [smem:$0x3FAD]  }
0x2c: {  	s7 =	sld [smem:$0x3FAE]  }
0x2d: {  	s3 =	simm.s32 $0x108;
	s8 =	sld [smem:$0x3FAF]  }
0x2e: {  	s3 =	simm.s32 @!p0 $0x1082;
	s9 =	sld [smem:$0x3FB0]  }
0x2f: {  	lr =	sadd.s32 s0, s3;
	s0 =	sld [smem:$0x3FA7]  }
0x30: {  	s3 =	sld [smem:$0x3FAA]  }
0x31: {  	[smem:$0x3FB3] =	sst s10  }
0x32: {  	s10 =	sld [smem:$0x3FB1];
	_ =	sdelay $0x3  }
0x33: {  	p0 =	seq.s32 s10, $0x1;
	s10 =	sld [smem:$0x3FB3];
	_ =	sdelay $0x3  }
0x34: {  	[smem:$0x3FB3] =	sst s10  }
0x35: {  	s10 =	sld [smem:$0x3FB2];
	_ =	sdelay $0x3  }
0x36: {  	p1 =	seq.s32 s10, $0x1;
	s10 =	sld [smem:$0x3FB3];
	_ =	sdelay $0x3  }
0x37: {  	[smem:$0x3FB3] =	sst s10  }
0x38: {  	s10 =	sld [smem:$0x3FB4]  }
0x39: {  	_ = 	snop;
	(pc) =	sbr.ind lr, $3  }
0x3a: {  	_ = 	snop  }
0x3b: {  	_ = 	snop  }
0x3c: {  	p2 =	seq.s32 s10, $0x1;
	s10 =	sld [smem:$0x3FB3]  }
0x3d: {  	_ =	shalt  }
0x3e: {  	_ =	shalt  }
0x3f: {  	_ =	shalt  }
0x40: {  	_ =	shalt  }
0x41: {  	_ =	shalt  }
0x42: {  	_ =	shalt  }
0x43: {  	_ =	shalt  }
0x44: {  	_ =	shalt  }
0x45: {  	_ =	shalt  }
0x46: {  	_ =	shalt  }
0x47: {  	_ =	shalt  }
0x48: {  	_ =	shalt  }
0x49: {  	_ =	shalt  }
0x4a: {  	_ =	shalt  }
0x4b: {  	_ =	shalt  }
0x4c: {  	_ =	shalt  }
0x4d: {  	_ =	shalt  }
0x4e: {  	_ =	shalt  }
0x4f: {  	_ =	shalt  }
0x50: {  	_ =	shalt  }
0x51: {  	_ =	shalt  }
0x52: {  	_ =	shalt  }
0x53: {  	_ =	shalt  }
0x54: {  	_ =	shalt  }
0x55: {  	_ =	shalt  }
0x56: {  	_ =	shalt  }
0x57: {  	_ =	shalt  }
0x58: {  	_ =	shalt  }
0x59: {  	_ =	shalt  }
0x5a: {  	_ =	shalt  }
0x5b: {  	_ =	shalt  }
0x5c: {  	_ =	shalt  }
0x5d: {  	_ =	shalt  }
0x5e: {  	_ =	shalt  }
0x5f: {  	_ =	shalt  }
0x60: {  	_ =	shalt  }
0x61: {  	_ =	shalt  }
0x62: {  	_ =	shalt  }
0x63: {  	_ =	shalt  }
0x64: {  	_ =	shalt  }
0x65: {  	_ =	shalt  }
0x66: {  	_ =	shalt  }
0x67: {  	_ =	shalt  }
0x68: {  	_ =	shalt  }
0x69: {  	_ =	shalt  }
0x6a: {  	_ =	shalt  }
0x6b: {  	_ =	shalt  }
0x6c: {  	_ =	shalt  }
0x6d: {  	_ =	shalt  }
0x6e: {  	_ =	shalt  }
0x6f: {  	_ =	shalt  }
0x70: {  	_ =	shalt  }
0x71: {  	_ =	shalt  }
0x72: {  	_ =	shalt  }
0x73: {  	_ =	shalt  }
0x74: {  	_ =	shalt  }
0x75: {  	_ =	shalt  }
0x76: {  	_ =	shalt  }
0x77: {  	_ =	shalt  }
0x78: {  	_ =	shalt  }
0x79: {  	_ =	shalt  }
0x7a: {  	_ =	shalt  }
0x7b: {  	_ =	shalt  }
0x7c: {  	_ =	shalt  }
0x7d: {  	_ =	shalt  }
0x7e: {  	_ =	shalt  }
0x7f: {  	_ =	shalt  }
0x80: {  	_ =	shalt  }
0x81: {  	_ =	shalt  }
0x82: {  	_ =	shalt  }
0x83: {  	_ =	shalt  }
0x84: {  	_ =	shalt  }
0x85: {  	_ =	shalt  }
0x86: {  	_ =	shalt  }
0x87: {  	_ =	shalt  }
.Lfunc_end0:
.L_simem_size_0:
called_computation.2_lowered:
.L_overlay_start_0:
0x88: {  	s2 =	sld [smem:$0x3FD9]  }
0x89: {  	s3 =	sld [smem:$0x3FFE];
	_ =	sdelay $0x1  }
0x8a: {  	s1 =	srdreg.scid  }
0x8b: {  	s0 =	sand.u32 $0x1, s1  }
0x8c: {  	s17 =	sshll.u32 s0, $0xA;
	s2 =	sadd.s32 s3, s2  }
0x8d: {  	s2 =	sadd.s32 s2, s17  }
0x8e: {  	[smem:$0x3FBF] =	sst s2  }
0x8f: {  	_ = 	snop  }
0x90: {  	s2 =	sld [smem:$0x3FD0];
	(tm) =	ssettm $0x1  }
0x91: {  	s18 =	sld [smem:$0x3FFB];
	_ =	sdelay $0x3  }
0x92: {  	_ =	strace s18  }
0x93: {  	s3 =	sld [smem:$0x3FFC];
	_ =	sdelay $0x3  }
0x94: {  	_ =	strace s3  }
0x95: {  	s3 =	sld [smem:$0x3FFD];
	_ =	sdelay $0x3  }
0x96: {  	_ =	strace s3  }
0x97: {  	_ =	strace $0x8FFFFFFF  }
0x98: {  	s19 =	sld [smem:$0x3FDB];
	_ =	sdelay $0x1  }
0x99: {  	s4 =	simm.s32 $_scs_section_size  }
0x9a: {  	s5 =	simm.s32 $_size__tile_overlayer_lowered;
	s6 =	simm.s32 $_tile_overlayer_lowered  }
0x9b: {  	s22 =	simm.s32 $0x1BFF;
	s21 =	sshll.u32 s6, $0x1;
	s3 =	sadd.s32 s4, s19  }
0x9c: {  	s7 =	simm.s32 $0x0;
	s20 =	sshll.u32 s5, $0x1;
	s5 =	sadd.s32 s21, s3  }
0x9d: {  	[timem:s7], [sflag:s22] =	dma.local [hbm:s5], s20  }
0x9e: {  	_ =	swait.ge [sflag:s22], s20  }
0x9f: {  	s4 =	ssub.s32 $0x0, s20;
	[sflag:s22] =	ssyncset.done $0x0  }
0xa0: {  	[sflag:s22] =	ssyncadd.s32 s4;
	_ =	sdelay $0x1  }
0xa1: {  	s23 =	simm.s32 $0x1B8B  }
0xa2: {  	_ =	swait.ge [sflag:s23], $0x1  }
0xa3: {  	[sflag:s23] =	ssyncset.done $0x0  }
0xa4: {  	s25 =	simm.s32 $0x1B8E;
	s24 =	sld [smem:$0x3FFE];
	[sflag:s23] =	ssyncadd.s32 $0xFFFFFFFF  }
0xa5: {  	s26 =	simm.s32 $execute0_lowered;
	[smem:$0x3FD2] =	sst s25  }
0xa6: {  	s5 =	sshll.u32 s26, $0x1;
	_ =	strace $0x8000004C;
	[dreg:$0x1] =	wrdreg $0xFFFFFFFF  }
0xa7: {  	s28 =	simm.s32 $_size_execute0_lowered;
	s3 =	sadd.s32 s3, s5;
	[dreg:$0x0] =	wrdreg $0x0  }
0xa8: {  	s5 =	sshll.u32 s28, $0x1;
	[dreg:$0x2] =	wrdreg s3  }
0xa9: {  	[dreg:$0x3] =	wrdreg s5  }
0xaa: {  	[dreg:$0x4] =	wrdreg $0xC0  }
0xab: {  	_ =	task [dreg:s7], $0x5FFFF  }
0xac: {  	[dreg:$0x1] =	wrdreg $0xFFFFFFFF  }
0xad: {  	[dreg:$0x0] =	wrdreg $0x60  }
0xae: {  	[dreg:$0x2] =	wrdreg s2  }
0xaf: {  	[dreg:$0x3] =	wrdreg s24  }
0xb0: {  	[dreg:$0x4] =	wrdreg $0xAC000  }
0xb1: {  	[dreg:$0x5] =	wrdreg $0x9  }
0xb2: {  	_ =	task.clear_ibuf [dreg:s7], $0x6FFFF;
	_ =	strace $0x9000004C  }
0xb3: {  	s29 =	simm.s32 $0x9;
	_ =	strace $0x8000004E  }
0xb4: {  	_ =	swait.ge [sflag:s29], $0x1  }
0xb5: {  	[sflag:s29] =	ssyncadd.s32 $0xFFFFFFFF  }
0xb6: {  	_ =	strace $0x9000004E  }
0xb7: {  	_ =	sfence  }
0xb8: {  	s30 =	sld [smem:$0x0];
	_ =	sdelay $0x2  }
0xb9: {  	s31 =	sshll.u32 s1, $0xD;
	s1 =	sshrl.u32 s1, $0x2  }
0xba: {  	s3 =	sand.u32 $0x4000, s31;
	s1 =	sadd.s32 s1, s30  }
0xbb: {  	s0 =	sor.u32 s3, s0;
	s1 =	sshll.u32 s1, $0x11  }
0xbc: {  	s0 =	sor.u32 s1, s0  }
0xbd: {  	s0 =	sadd.s32 $0x8F2B, s0  }
0xbe: {  	[sflag:s0] =	ssyncadd.remote.s32 $0x1  }
0xbf: {  	_ =	sfence.sel $0xFFFF  }
0xc0: {  	[dreg:$0x0] =	wrdreg $0xFFFFFFFF;
	(pc) =	sbr.abs _section_cstart, $3  }
0xc1: {  	[dreg:$0x1] =	wrdreg $0xFFFFFFFF  }
0xc2: {  	_ =	task.clear_ibuf [dreg:s7], $0x2FFFF;
	_ =	strace $0x9FFFFFFF  }
0xc3: {  	(tm) =	ssettm $0x7FFFFFFF  }
tec
execute0_lowered:
.L_overlay_start_1:
0x0: {  	(tag) =	ssettag $0x1  }
0x1: {  	s1 =	rddreg [dreg:$0x0]  }
0x2: {  	s5 =	rddreg [dreg:$0x1]  }
0x3: {  	s2 =	rddreg [dreg:$0x2]  }
0x4: {  	s3 =	srdreg.scid;
	s0 =	rddreg [dreg:$0x3]  }
0x5: {  	s4 =	simm.s32 $0x0;
	s12 =	simm.s32 $0x4000;
	s13 =	simm.s32 $0x50  }
0x6: {  	s14 =	simm.s32 $0x8000;
	s6 =	sand.u32 $0x1, s3;
	s3 =	stileid.u32  }
0x7: {  	s15 =	simm.s32 $0x1;
	[smem:$0x7FF] =	sst s4;
	s7 =	smul.u32 $0x140000, s6  }
0x8: {  	s8 =	smul.u32 $0x14000, s3;
	_ =	strace $0x8000004D;
	s9 =	sshll.u32 s3, $0xC  }
0x9: {  	s10 =	sshll.u32 s6, $0xB;
	s28 =	smul.u32 $0x50000, s3;
	s6 =	ssub.s32 $0x2, s6  }
0xa: {  	s16 =	sshll.u32 s3, $0x6;
	s9 =	sor.u32 s10, s9;
	s30 =	sshrl.u32 s6, $0x1  }
0xb: {  	s10 =	simm.s32 $0xA800;
	s16 =	sor.u32 $0x1C02, s16;
	s7 =	sadd.s32 s8, s7  }
0xc: {  	s9 =	sadd.s32 s9, s5;
	s31 =	sshrl.u32 s28, $0x2;
	s7 =	sshrl.u32 s7, $0x3  }
0xd: {  	s11 =	ssub.s32 s6, s30;
	s6 =	sadd.s32 $0x1C800, s9;
	s29 =	sadd.s32 s7, s5  }
0xe: {  	s5 =	sadd.s32 s31, s2;
	s7 =	sadd.s32 $0x2800, s9;
	s9 =	smax.u32 s11, $0x1  }
0xf: {  	v0 =	vimm.f32 $0.0e+00;
	s11 =	simm.s32 $0x2;
	s8 =	sadd.s32 $0x2C800, s29;
	s17 =	sshrl.u32 s5, $0x3  }
.LBB2_1:
0x10: {  	s18 =	simm.s32 $0x0;
	s19 =	simm.s32 $0x0  }
.LBB2_2:
0x11: {  	p0 =	sne.s32 s19, $0xFC0  }
.Ltmp0:
0x12: {  	_ = 	snop;
	(pc) =	sbr.rel @p0 .LBB2_2-.Ltmp0, $4  }
0x13: {  	s20 =	sand.u32 $0xE00, s19  }
0x14: {  	s21 =	sand.u32 $0x70, s18;
	s20 =	sshrl.u32 s20, $0x2  }
0x15: {  	s20 =	sor.u32 s21, s20  }
0x16: {  	s18 =	sadd.s32 $0x10, s18;
	s19 =	sadd.s32 $0x40, s19;
	[tilespmem:s20+$0xA800] =	vst v0  }
0x17: {  	s18 =	sadd.s32 $0x0, s5  }
0x18: {  	[spmem:s18] =	stream.linear.scatter [tilespmem:s10], [sflag:$0x2], $0x400, $0x38;
	[tilespmem:$0x1EC00] =	vst v63  }
0x19: {  	s18 =	simm.s32 $0x1000;
	_ =	swait.ge [sflag:s11], $0x400  }
.LBB2_4:
0x1a: {  	s19 =	sshra.s32 s18, $0x2;
	[sflag:s11] =	ssyncset.done $0x0;
	p0 =	sne.s32 s18, $0x4F000  }
.Ltmp1:
0x1b: {  	s19 =	sadd.s32 s19, s5;
	[sflag:s11] =	ssyncadd.s32 $0xFFFFFC00;
	(pc) =	sbr.rel @p0 .LBB2_4-.Ltmp1, $3  }
0x1c: {  	[spmem:s19] =	stream.linear.scatter [tilespmem:s10], [sflag:$0x2], $0x400, $0x38;
	[tilespmem:$0x1EC00] =	vst v63  }
0x1d: {  	s18 =	sadd.s32 $0x1000, s18;
	_ =	sdelay $0x1  }
0x1e: {  	_ =	swait.ge [sflag:s11], $0x400  }
0x1f: {  	[sflag:s11] =	ssyncset.done $0x0  }
0x20: {  	s18 =	simm.s32 $0x0;
	[sflag:s11] =	ssyncadd.s32 $0xFFFFFC00  }
0x21: {  	[tilespmem:s18], [sflag:$0x2] =	stream.linear.gather [hbm4b:s6+s18], $0x3E80, $0x38;
	[tilespmem:$0x1EC00] =	vst v63  }
0x22: {  	_ =	swait.ge [sflag:s11], $0x3E80  }
0x23: {  	[sflag:s11] =	ssyncset.done $0x0  }
0x24: {  	[sflag:s11] =	ssyncadd.s32 $0xFFFFC180  }
0x25: {  	[tilespmem:s12], [sflag:$0x2] =	stream.linear.gather [hbm4b:s7+s18], $0x3E80, $0x38;
	[tilespmem:$0x1EC00] =	vst v63  }
0x26: {  	_ =	swait.ge [sflag:s11], $0x3E80  }
0x27: {  	[sflag:s11] =	ssyncset.done $0x0  }
0x28: {  	[sflag:s11] =	ssyncadd.s32 $0xFFFFC180  }
0x29: {  	s30 =	simm.s32 $0x0;
	[bflag:$0x0] =	sbarrier.arrive $0xFFFF  }
0x2a: {  	[tilespmem:s14], [sflag:$0x1] =	stream.indirect.gather [hbm4b:s1+s13], $0x80, s30, s13, $0xb8;
	[tilespmem:$0x1EC00] =	vst v63  }
0x2b: {  	_ =	swait.ge [sflag:s15], $0x2800  }
0x2c: {  	[sflag:s15] =	ssyncset.done $0x0  }
0x2d: {  	s31 =	simm.s32 $0x4000;
	[sflag:s15] =	ssyncadd.s32 $0xFFFFD800  }
0x2e: {  	[spmem:s2] =	stream.indirect.scatter.add.f32 [tilespmem:s14], [sflag:$0x2], $0x80, s31, s13, $0xb8;
	[tilespmem:$0x1EC00] =	vst v63  }
0x2f: {  	_ =	swait.ge [sflag:s11], $0x2800  }
0x30: {  	s19 =	simm.s32 $0x400;
	s18 =	simm.s32 $0x200;
	[sflag:s11] =	ssyncset.done $0x0  }
.LBB2_6:
0x31: {  	s20 =	sshra.s32 s18, $0x2  }
0x32: {  	[sflag:s11] =	ssyncadd.s32 $0xFFFFD800;
	s18 =	smov.u32 s19;
	s21 =	sadd.s32 $0x200, s19  }
0x33: {  	[tilespmem:s14], [sflag:$0x1] =	stream.indirect.gather [hbm4b:s1+s13], $0x80, s20, s13, $0xb8;
	[tilespmem:$0x1EC00] =	vst v63  }
0x34: {  	p0 =	sne.s32 s19, $0xF800;
	_ =	swait.ge [sflag:s15], $0x2800  }
.Ltmp2:
0x35: {  	[sflag:s15] =	ssyncset.done $0x0;
	(pc) =	sbr.rel @p0 .LBB2_6-.Ltmp2, $4  }
0x36: {  	s19 =	sadd.s32 $0x4000, s20;
	[sflag:s15] =	ssyncadd.s32 $0xFFFFD800  }
0x37: {  	[spmem:s2] =	stream.indirect.scatter.add.f32 [tilespmem:s14], [sflag:$0x2], $0x80, s19, s13, $0xb8;
	[tilespmem:$0x1EC00] =	vst v63  }
0x38: {  	_ =	swait.ge [sflag:s11], $0x2800  }
0x39: {  	s19 =	smov.u32 s21;
	[sflag:s11] =	ssyncset.done $0x0  }
0x3a: {  	s18 =	sshra.s32 s18, $0x2;
	[sflag:s11] =	ssyncadd.s32 $0xFFFFD800  }
0x3b: {  	[tilespmem:s14], [sflag:$0x1] =	stream.indirect.gather [hbm4b:s1+s13], $0x80, s18, s13, $0xb8;
	[tilespmem:$0x1EC00] =	vst v63  }
0x3c: {  	_ =	swait.ge [sflag:s15], $0x2800  }
0x3d: {  	[sflag:s15] =	ssyncset.done $0x0  }
0x3e: {  	s18 =	sadd.s32 $0x4000, s18;
	[sflag:s15] =	ssyncadd.s32 $0xFFFFD800  }
0x3f: {  	[spmem:s2] =	stream.indirect.scatter.add.f32 [tilespmem:s14], [sflag:$0x2], $0x80, s18, s13, $0xb8;
	[tilespmem:$0x1EC00] =	vst v63  }
0x40: {  	_ =	swait.ge [sflag:s11], $0x2800  }
0x41: {  	s4 =	sadd.s32 $0x1, s4;
	[sflag:s11] =	ssyncset.done $0x0  }
0x42: {  	p0 =	sne.s32 s4, s9;
	[sflag:s11] =	ssyncadd.s32 $0xFFFFD800  }
.Ltmp3:
0x43: {  	[bflag:$0x0] =	sbarrier.arrive $0xFFFF;
	(pc) =	sbr.rel @p0 .LBB2_1-.Ltmp3, $4  }
0x44: {  	[hbm:s8], [sflag:s16] =	dma.local [spmem:s17], $0x2800  }
0x45: {  	_ =	swait.ge [sflag:s11], $0x2800  }
0x46: {  	[sflag:s11] =	ssyncset.done $0x0  }
0x47: {  	[sflag:s11] =	ssyncadd.s32 $0xFFFFD800  }
0x48: {  	_ =	sfence.sel $0x180000  }
0x49: {  	[bflag:$0x0] =	sbarrier.arrive $0xFFFF  }
0x4a: {  	p0 =	sne.s32 s3, $0x0;
	_ =	strace $0x9000004D  }
0x4b: {  	s0 =	sadd.s32 @!p0 $0x100000, s0;
	[bflag:$0x2] =	sbarrier.arrive $0xFFFF  }
0x4c: {  	[sflag:s0] =	ssyncadd.tile.s32 @!p0 $0x1;
	_ =	shalt  }
.Lfunc_end2:
_tile_overlayer_lowered:
.L_overlay_start_2:
0x4d: {  	(tag) =	ssettag $0x2  }
0x4e: {  	s0 =	rddreg [dreg:$0x0];
	s2 =	stileid.u32  }
0x4f: {  	s1 =	rddreg [dreg:$0x1];
	p0 =	sne.s32 s2, $0x0  }
0x50: {  	s3 =	rddreg [dreg:$0x2];
	[bflag:$0x3] =	sbarrier.arrive $0xFFFF;
	s2 =	simm.s32 @!p0 $0x1C02  }
0x51: {  	[timem:s3], [sflag:s2] =	dma.local @!p0 [hbm:s0], s1  }
0x52: {  	s0 =	simm.s32 @!p0 $0x2  }
0x53: {  	_ =	swait.ge @!p0 [sflag:s0], s1  }
0x54: {  	s1 =	ssub.s32 @!p0 $0x0, s1;
	[sflag:s0] =	ssyncset.done @!p0 $0x0  }
0x55: {  	[sflag:s0] =	ssyncadd.s32 @!p0 s1  }
0x56: {  	[bflag:$0x3] =	sbarrier.arrive $0xFFFF  }
0x57: {  	_ =	shalt  }

// kernel: kernel.8.cloned.1.call-start
scs
__scs_entry_jumppad:
0x0: {  	(pc) =	sbr.rel $0x88, $3  }
0x1: {  	(tag) =	ssettag $0x0;
	lr =	simm.s32 $0x1  }
0x2: {  	[smem:$0x3F98] =	sst lr;
	_ =	strace $0xD0000000  }
0x3: {  	_ = 	snop  }
0x4: {  	_ = 	snop  }
0x5: {  	_ = 	snop  }
0x6: {  	_ = 	snop  }
0x7: {  	_ = 	snop  }
__scs_overlays_trampoline_lowered:
0x8: {  	[smem:$0x3FA7] =	sst s0  }
0x9: {  	[smem:$0x3FA8] =	sst s1  }
0xa: {  	[smem:$0x3FA9] =	sst s2  }
0xb: {  	[smem:$0x3FAA] =	sst s3  }
0xc: {  	[smem:$0x3FAB] =	sst s4  }
0xd: {  	[smem:$0x3FAC] =	sst s5  }
0xe: {  	[smem:$0x3FAD] =	sst s6  }
0xf: {  	[smem:$0x3FAE] =	sst s7  }
0x10: {  	[smem:$0x3FAF] =	sst s8  }
0x11: {  	[smem:$0x3FB0] =	sst s9;
	s0 =	simm.s32 @!p0 $0x0  }
0x12: {  	s1 =	sld [smem:$0x3F96];
	s0 =	simm.s32 @p0 $0x1  }
0x13: {  	[smem:$0x3FB1] =	sst s0;
	s0 =	simm.s32 @!p1 $0x0  }
0x14: {  	s2 =	sld [smem:$0x3F95];
	s0 =	simm.s32 @p1 $0x1  }
0x15: {  	[smem:$0x3FB2] =	sst s0;
	s0 =	simm.s32 @!p2 $0x0  }
0x16: {  	s3 =	sld [smem:$0x3FDB];
	s0 =	simm.s32 @p2 $0x1  }
0x17: {  	s4 =	simm.s32 $0x1BF5;
	[smem:$0x3FB4] =	sst s0  }
0x18: {  	s0 =	sld [smem:$0x3F97];
	_ =	swait.ge [sflag:s4], $0x0  }
0x19: {  	s7 =	sld [smem:$0x3F98]  }
0x1a: {  	s8 =	sadd.s32 $0xFFFFE003, lr  }
0x1b: {  	s9 =	sadd.s32 $0xFFFFFEF7, lr;
	s5 =	simm.s32 $0xFFFFFFFF;
	p2 =	slt.u32 s8, $0xFFFFF086  }
0x1c: {  	p1 =	slt.u32 s9, $0xF7A;
	s5 =	simm.s32 @!p2 $0x0  }
0x1d: {  	s5 =	simm.s32 @p1 $0x1;
	p0 =	seq.s32 s7, s2  }
0x1e: {  	s7 =	smul.u32 @!p0 $0xF7A, s2;
	p2 =	seq.s32 @!p0 s5, $0x0  }
0x1f: {  	s9 =	smul.u32 $0xF7A, s1;
	s8 =	simm.s32 @!p0 $0x1BF5;
	p2 =	por !p2, p0  }
0x20: {  	[sflag:s8] =	ssyncset.s32 @!p0 $0xFFFFF086;
	s6 =	sadd.s32 @!p0 s3, s7;
	s7 =	simm.s32 @!p0 $0x108  }
0x21: {  	s3 =	sadd.s32 s3, s9;
	s6 =	sadd.s32 @!p0 $0x88, s6;
	s7 =	simm.s32 @p2 $0x1082  }
0x22: {  	[simem:s7], [sflag:s8] =	dma.local @!p0 [hbm:s6], $0xF7A  }
0x23: {  	s9 =	sor.u32 $0xD0000000, s2;
	s6 =	simm.s32 $0x108;
	_ =	swait.ge @!p0 [sflag:s8], $0x0  }
0x24: {  	s3 =	sadd.s32 $0x88, s3;
	s6 =	simm.s32 @!p1 $0x1082;
	[sflag:s4] =	ssyncset.s32 $0xFFFFF086  }
0x25: {  	[simem:s6], [sflag:s4] =	dma.local [hbm:s3], $0xF7A  }
0x26: {  	[smem:$0x3F98] =	sst s1;
	(tag) =	ssettag s2;
	_ =	strace s9  }
0x27: {  	s1 =	sld [smem:$0x3FA8]  }
0x28: {  	s2 =	sld [smem:$0x3FA9]  }
0x29: {  	s4 =	sld [smem:$0x3FAB]  }
0x2a: {  	p0 =	seq.s32 s5, $0x0;
	s5 =	sld [smem:$0x3FAC]  }
0x2b: {  	s6 =	sld [smem:$0x3FAD]  }
0x2c: {  	s7 =	sld [smem:$0x3FAE]  }
0x2d: {  	s3 =	simm.s32 $0x108;
	s8 =	sld [smem:$0x3FAF]  }
0x2e: {  	s3 =	simm.s32 @!p0 $0x1082;
	s9 =	sld [smem:$0x3FB0]  }
0x2f: {  	lr =	sadd.s32 s0, s3;
	s0 =	sld [smem:$0x3FA7]  }
0x30: {  	s3 =	sld [smem:$0x3FAA]  }
0x31: {  	[smem:$0x3FB3] =	sst s10  }
0x32: {  	s10 =	sld [smem:$0x3FB1];
	_ =	sdelay $0x3  }
0x33: {  	p0 =	seq.s32 s10, $0x1;
	s10 =	sld [smem:$0x3FB3];
	_ =	sdelay $0x3  }
0x34: {  	[smem:$0x3FB3] =	sst s10  }
0x35: {  	s10 =	sld [smem:$0x3FB2];
	_ =	sdelay $0x3  }
0x36: {  	p1 =	seq.s32 s10, $0x1;
	s10 =	sld [smem:$0x3FB3];
	_ =	sdelay $0x3  }
0x37: {  	[smem:$0x3FB3] =	sst s10  }
0x38: {  	s10 =	sld [smem:$0x3FB4]  }
0x39: {  	_ = 	snop;
	(pc) =	sbr.ind lr, $3  }
0x3a: {  	_ = 	snop  }
0x3b: {  	_ = 	snop  }
0x3c: {  	p2 =	seq.s32 s10, $0x1;
	s10 =	sld [smem:$0x3FB3]  }
0x3d: {  	_ =	shalt  }
0x3e: {  	_ =	shalt  }
0x3f: {  	_ =	shalt  }
0x40: {  	_ =	shalt  }
0x41: {  	_ =	shalt  }
0x42: {  	_ =	shalt  }
0x43: {  	_ =	shalt  }
0x44: {  	_ =	shalt  }
0x45: {  	_ =	shalt  }
0x46: {  	_ =	shalt  }
0x47: {  	_ =	shalt  }
0x48: {  	_ =	shalt  }
0x49: {  	_ =	shalt  }
0x4a: {  	_ =	shalt  }
0x4b: {  	_ =	shalt  }
0x4c: {  	_ =	shalt  }
0x4d: {  	_ =	shalt  }
0x4e: {  	_ =	shalt  }
0x4f: {  	_ =	shalt  }
0x50: {  	_ =	shalt  }
0x51: {  	_ =	shalt  }
0x52: {  	_ =	shalt  }
0x53: {  	_ =	shalt  }
0x54: {  	_ =	shalt  }
0x55: {  	_ =	shalt  }
0x56: {  	_ =	shalt  }
0x57: {  	_ =	shalt  }
0x58: {  	_ =	shalt  }
0x59: {  	_ =	shalt  }
0x5a: {  	_ =	shalt  }
0x5b: {  	_ =	shalt  }
0x5c: {  	_ =	shalt  }
0x5d: {  	_ =	shalt  }
0x5e: {  	_ =	shalt  }
0x5f: {  	_ =	shalt  }
0x60: {  	_ =	shalt  }
0x61: {  	_ =	shalt  }
0x62: {  	_ =	shalt  }
0x63: {  	_ =	shalt  }
0x64: {  	_ =	shalt  }
0x65: {  	_ =	shalt  }
0x66: {  	_ =	shalt  }
0x67: {  	_ =	shalt  }
0x68: {  	_ =	shalt  }
0x69: {  	_ =	shalt  }
0x6a: {  	_ =	shalt  }
0x6b: {  	_ =	shalt  }
0x6c: {  	_ =	shalt  }
0x6d: {  	_ =	shalt  }
0x6e: {  	_ =	shalt  }
0x6f: {  	_ =	shalt  }
0x70: {  	_ =	shalt  }
0x71: {  	_ =	shalt  }
0x72: {  	_ =	shalt  }
0x73: {  	_ =	shalt  }
0x74: {  	_ =	shalt  }
0x75: {  	_ =	shalt  }
0x76: {  	_ =	shalt  }
0x77: {  	_ =	shalt  }
0x78: {  	_ =	shalt  }
0x79: {  	_ =	shalt  }
0x7a: {  	_ =	shalt  }
0x7b: {  	_ =	shalt  }
0x7c: {  	_ =	shalt  }
0x7d: {  	_ =	shalt  }
0x7e: {  	_ =	shalt  }
0x7f: {  	_ =	shalt  }
0x80: {  	_ =	shalt  }
0x81: {  	_ =	shalt  }
0x82: {  	_ =	shalt  }
0x83: {  	_ =	shalt  }
0x84: {  	_ =	shalt  }
0x85: {  	_ =	shalt  }
0x86: {  	_ =	shalt  }
0x87: {  	_ =	shalt  }
.Lfunc_end0:
.L_simem_size_0:
called_computation_lowered:
.L_overlay_start_0:
0x88: {  	s2 =	sld [smem:$0x3FD9]  }
0x89: {  	s3 =	sld [smem:$0x3FFE];
	_ =	sdelay $0x1  }
0x8a: {  	s1 =	srdreg.scid  }
0x8b: {  	s0 =	sand.u32 $0x1, s1  }
0x8c: {  	s16 =	sshll.u32 s0, $0xA;
	s2 =	sadd.s32 s3, s2  }
0x8d: {  	s2 =	sadd.s32 s2, s16  }
0x8e: {  	[smem:$0x3FBF] =	sst s2  }
0x8f: {  	_ = 	snop  }
0x90: {  	(tm) =	ssettm $0x1  }
0x91: {  	s17 =	sld [smem:$0x3FFB];
	_ =	sdelay $0x3  }
0x92: {  	_ =	strace s17  }
0x93: {  	s2 =	sld [smem:$0x3FFC];
	_ =	sdelay $0x3  }
0x94: {  	_ =	strace s2  }
0x95: {  	s2 =	sld [smem:$0x3FFD];
	_ =	sdelay $0x3  }
0x96: {  	_ =	strace s2  }
0x97: {  	_ =	strace $0x8FFFFFFF  }
0x98: {  	s18 =	sld [smem:$0x3FDB];
	_ =	sdelay $0x1  }
0x99: {  	s19 =	simm.s32 $_scs_section_size  }
0x9a: {  	s4 =	simm.s32 $_size__tile_overlayer_lowered;
	s5 =	simm.s32 $_tile_overlayer_lowered  }
0x9b: {  	s22 =	simm.s32 $0x1BFF;
	s21 =	sshll.u32 s5, $0x1;
	s2 =	sadd.s32 s19, s18  }
0x9c: {  	s6 =	simm.s32 $0x0;
	s20 =	sshll.u32 s4, $0x1;
	s4 =	sadd.s32 s21, s2  }
0x9d: {  	[timem:s6], [sflag:s22] =	dma.local [hbm:s4], s20  }
0x9e: {  	_ =	swait.ge [sflag:s22], s20  }
0x9f: {  	s3 =	ssub.s32 $0x0, s20;
	[sflag:s22] =	ssyncset.done $0x0  }
0xa0: {  	[sflag:s22] =	ssyncadd.s32 s3;
	_ =	sdelay $0x1  }
0xa1: {  	s23 =	simm.s32 $0x1B8B  }
0xa2: {  	_ =	swait.ge [sflag:s23], $0x1  }
0xa3: {  	[sflag:s23] =	ssyncset.done $0x0  }
0xa4: {  	s25 =	simm.s32 $0x1B8E;
	s24 =	sld [smem:$0x3FFE];
	[sflag:s23] =	ssyncadd.s32 $0xFFFFFFFF  }
0xa5: {  	s26 =	simm.s32 $execute0_lowered;
	[smem:$0x3FD2] =	sst s25  }
0xa6: {  	s4 =	sshll.u32 s26, $0x1;
	_ =	strace $0x80000046;
	[dreg:$0x1] =	wrdreg $0xFFFFFFFF  }
0xa7: {  	s28 =	simm.s32 $_size_execute0_lowered;
	s2 =	sadd.s32 s2, s4;
	[dreg:$0x0] =	wrdreg $0x0  }
0xa8: {  	s4 =	sshll.u32 s28, $0x1;
	[dreg:$0x2] =	wrdreg s2  }
0xa9: {  	[dreg:$0x3] =	wrdreg s4  }
0xaa: {  	[dreg:$0x4] =	wrdreg $0xC0  }
0xab: {  	_ =	task [dreg:s6], $0x5FFFF  }
0xac: {  	[dreg:$0x1] =	wrdreg $0xFFFFFFFF  }
0xad: {  	[dreg:$0x0] =	wrdreg $0x60  }
0xae: {  	[dreg:$0x2] =	wrdreg s24  }
0xaf: {  	[dreg:$0x3] =	wrdreg $0x9  }
0xb0: {  	_ =	task.clear_ibuf [dreg:s6], $0x4FFFF;
	_ =	strace $0x90000046  }
0xb1: {  	s29 =	simm.s32 $0x9;
	_ =	strace $0x80000048  }
0xb2: {  	_ =	swait.ge [sflag:s29], $0x1  }
0xb3: {  	[sflag:s29] =	ssyncadd.s32 $0xFFFFFFFF  }
0xb4: {  	_ =	strace $0x90000048  }
0xb5: {  	_ =	sfence  }
0xb6: {  	s30 =	sld [smem:$0x0];
	_ =	sdelay $0x2  }
0xb7: {  	s31 =	sshll.u32 s1, $0xD;
	s1 =	sshrl.u32 s1, $0x2  }
0xb8: {  	s3 =	sand.u32 $0x4000, s31;
	s1 =	sadd.s32 s1, s30  }
0xb9: {  	s0 =	sor.u32 s3, s0;
	s1 =	sshll.u32 s1, $0x11  }
0xba: {  	s0 =	sor.u32 s1, s0  }
0xbb: {  	s0 =	sadd.s32 $0x8F2B, s0  }
0xbc: {  	[sflag:s0] =	ssyncadd.remote.s32 $0x1  }
0xbd: {  	_ =	sfence.sel $0xFFFF  }
0xbe: {  	[dreg:$0x0] =	wrdreg $0xFFFFFFFF;
	(pc) =	sbr.abs _section_cstart, $3  }
0xbf: {  	[dreg:$0x1] =	wrdreg $0xFFFFFFFF  }
0xc0: {  	_ =	task.clear_ibuf [dreg:s6], $0x2FFFF;
	_ =	strace $0x9FFFFFFF  }
0xc1: {  	(tm) =	ssettm $0x7FFFFFFF  }
tec
execute0_lowered:
.L_overlay_start_1:
0x0: {  	(tag) =	ssettag $0x1  }
0x1: {  	s3 =	rddreg [dreg:$0x0]  }
0x2: {  	s2 =	srdreg.scid;
	s1 =	stileid.u32;
	s15 =	simm.s32 $0x1  }
0x3: {  	s16 =	simm.s32 $0x4000;
	s17 =	simm.s32 $0x80;
	s18 =	simm.s32 $0x400  }
0x4: {  	s19 =	simm.s32 $0x4400;
	s20 =	simm.s32 $0x4800;
	s21 =	simm.s32 $0x4C00  }
0x5: {  	s22 =	simm.s32 $0x5000;
	s23 =	simm.s32 $0x5400;
	s24 =	simm.s32 $0x5800  }
0x6: {  	s25 =	simm.s32 $0x5C00;
	s4 =	sand.u32 $0x1, s2;
	s5 =	sshll.u32 s1, $0x1  }
0x7: {  	s26 =	simm.s32 $0x6000;
	s6 =	sshrl.u32 s1, $0x2;
	s5 =	sor.u32 s4, s5  }
0x8: {  	s2 =	simm.s32 $0x0;
	s6 =	smul.u32 $0x14000, s6;
	s7 =	sshll.u32 s5, $0x7  }
0x9: {  	s28 =	simm.s32 $0x6400;
	[smem:$0x7FF] =	sst s2;
	s7 =	sand.u32 $0x380, s7  }
0xa: {  	s4 =	ssub.s32 $0x2, s4;
	_ =	strace $0x80000047;
	s6 =	sor.u32 s7, s6  }
0xb: {  	s5 =	sshll.u32 s5, $0xB;
	s30 =	sshrl.u32 s4, $0x1;
	s6 =	sshrl.u32 s6, $0x3  }
0xc: {  	s5 =	sadd.s32 s5, s3;
	s31 =	ssub.s32 s4, s30;
	s14 =	sadd.s32 s6, s3  }
0xd: {  	s3 =	sadd.s32 $0x2800, s5;
	s5 =	smax.u32 s31, $0x1;
	s4 =	sadd.s32 $0x12800, s14  }
0xe: {  	s6 =	sadd.s32 $0x12C00, s14;
	s7 =	sadd.s32 $0x13000, s14;
	s8 =	sadd.s32 $0x13400, s14  }
0xf: {  	s9 =	sadd.s32 $0x13800, s14;
	s10 =	sadd.s32 $0x13C00, s14;
	s11 =	sadd.s32 $0x14000, s14  }
0x10: {  	v0 =	vimm.f32 $0.0e+00;
	s12 =	sadd.s32 $0x14400, s14;
	s13 =	sadd.s32 $0x14800, s14;
	s14 =	sadd.s32 $0x14C00, s14  }
.LBB2_1:
0x11: {  	s29 =	simm.s32 $0x40;
	s30 =	simm.s32 $0x0  }
.LBB2_2:
0x12: {  	p0 =	sne.s32 s29, $0x9FC0;
	[tilespmem:s30+$0x4000] =	vst v0;
	s30 =	smov.u32 s29;
	s29 =	sadd.s32 $0x40, s29  }
.Ltmp0:
0x13: {  	(pc) =	sbr.rel @p0 .LBB2_2-.Ltmp0, $2  }
0x14: {  	_ =	sdelay $0x2  }
0x15: {  	s30 =	sshra.s32 s30, $0x2  }
0x16: {  	s29 =	simm.s32 $0x0  }
0x17: {  	s31 =	smul.u32 $0xCCCD, s29;
	_ =	sdelay $0x1  }
0x18: {  	s31 =	sshrl.u32 s31, $0x12  }
0x19: {  	[tilespmem:s30+$0x4000] =	vst v0;
	s30 =	smul.u32 $0x5, s31  }
0x1a: {  	[tilespmem:s29], [sflag:$0x1] =	stream.linear.gather [hbm4b:s3+s29], $0x3E80, $0x38;
	[tilespmem:$0x6800] =	vst v63  }
0x1b: {  	s29 =	ssub.s32 $0x0, s30  }
0x1c: {  	_ =	swait.ge [sflag:s15], $0x3E80;
	s29 =	sand.u32 $0xFFFF, s29  }
0x1d: {  	[sflag:s15] =	ssyncset.done $0x0;
	s30 =	sshll.u32 s31, $0x7;
	s29 =	sshll.u32 s29, $0x4  }
0x1e: {  	[sflag:s15] =	ssyncadd.s32 $0xFFFFC180;
	s29 =	sor.u32 s29, s30  }
0x1f: {  	v1 =	vld [tilespmem:s29+$0x0];
	_ =	sdelay $0x4  }
0x20: {  	(xrf1) =	vunique.msk.u32 $0xffff, v1;
	_ =	sdelay $0xa  }
0x21: {  	s29 =	simm.s32 $0x1  }
0x22: {  	s30 =	simm.s32 $0x2;
	s31 =	smul.u32 $0xCCCD, s29  }
.LBB2_4:
0x23: {  	p0 =	sne.s32 s30, $0x270  }
0x24: {  	s31 =	sshrl.u32 s31, $0x12;
	_, v2, vm0 =	vpop (xrf1)  }
0x25: {  	s0 =	smul.u32 $0x5, s31;
	_ =	sdelay $0x1  }
0x26: {  	s0 =	ssub.s32 s29, s0;
	s29 =	smov.u32 s30  }
0x27: {  	v2 =	vcvt.s32.f32 v2;
	s0 =	sand.u32 $0xFFFF, s0  }
0x28: {  	s31 =	sshll.u32 s31, $0x7;
	s0 =	sshll.u32 s0, $0x4  }
0x29: {  	s0 =	sor.u32 s0, s31;
	[tilespmem:v1+s16+$0x0] =	vst.idx.add.f32.msk vm0, v2  }
0x2a: {  	v1 =	vld [tilespmem:s0+$0x0];
	_ =	sdelay $0x4  }
0x2b: {  	(xrf1) =	vunique.msk.u32 $0xffff, v1;
	_ =	sdelay $0x7  }
.Ltmp1:
0x2c: {  	(pc) =	sbr.rel @p0 .LBB2_4-.Ltmp1, $2  }
0x2d: {  	_ =	sdelay $0x2  }
0x2e: {  	s30 =	sadd.s32 $0x1, s30;
	s31 =	smul.u32 $0xCCCD, s29  }
0x2f: {  	_ = 	snop  }
0x30: {  	s0 =	sshrl.u32 s31, $0x12;
	_, v2, vm0 =	vpop (xrf1)  }
0x31: {  	s30 =	smul.u32 $0x5, s0;
	_ =	sdelay $0x1  }
0x32: {  	s29 =	ssub.s32 s29, s30  }
0x33: {  	v2 =	vcvt.s32.f32 v2;
	s29 =	sand.u32 $0xFFFF, s29  }
0x34: {  	s0 =	sshll.u32 s0, $0x7;
	s29 =	sshll.u32 s29, $0x4  }
0x35: {  	s0 =	sor.u32 s29, s0;
	[tilespmem:v1+s16+$0x0] =	vst.idx.add.f32.msk vm0, v2  }
0x36: {  	v1 =	vld [tilespmem:s0+$0x0];
	_ =	sdelay $0x4  }
0x37: {  	(xrf1) =	vunique.msk.u32 $0xffff, v1;
	_ =	sdelay $0xd  }
0x38: {  	_, v2, vm0 =	vpop (xrf1);
	_ =	sdelay $0x3  }
0x39: {  	v2 =	vcvt.s32.f32 v2;
	_ =	sdelay $0x1  }
0x3a: {  	[tilespmem:v1+s16+$0x0] =	vst.idx.add.f32.msk vm0, v2  }
0x3b: {  	[hbm4b:s4+s17] =	stream.strided.scatter [tilespmem:s16], [sflag:$0x1], $0x400, s18, s17, $0x38;
	[tilespmem:$0x6800] =	vst v63  }
0x3c: {  	_ =	swait.ge [sflag:s15], $0x400  }
0x3d: {  	[sflag:s15] =	ssyncset.done $0x0  }
0x3e: {  	[sflag:s15] =	ssyncadd.s32 $0xFFFFFC00  }
0x3f: {  	[hbm4b:s6+s17] =	stream.strided.scatter [tilespmem:s19], [sflag:$0x1], $0x400, s18, s17, $0x38;
	[tilespmem:$0x6800] =	vst v63  }
0x40: {  	_ =	swait.ge [sflag:s15], $0x400  }
0x41: {  	[sflag:s15] =	ssyncset.done $0x0  }
0x42: {  	[sflag:s15] =	ssyncadd.s32 $0xFFFFFC00  }
0x43: {  	[hbm4b:s7+s17] =	stream.strided.scatter [tilespmem:s20], [sflag:$0x1], $0x400, s18, s17, $0x38;
	[tilespmem:$0x6800] =	vst v63  }
0x44: {  	_ =	swait.ge [sflag:s15], $0x400  }
0x45: {  	[sflag:s15] =	ssyncset.done $0x0  }
0x46: {  	[sflag:s15] =	ssyncadd.s32 $0xFFFFFC00  }
0x47: {  	[hbm4b:s8+s17] =	stream.strided.scatter [tilespmem:s21], [sflag:$0x1], $0x400, s18, s17, $0x38;
	[tilespmem:$0x6800] =	vst v63  }
0x48: {  	_ =	swait.ge [sflag:s15], $0x400  }
0x49: {  	[sflag:s15] =	ssyncset.done $0x0  }
0x4a: {  	[sflag:s15] =	ssyncadd.s32 $0xFFFFFC00  }
0x4b: {  	[hbm4b:s9+s17] =	stream.strided.scatter [tilespmem:s22], [sflag:$0x1], $0x400, s18, s17, $0x38;
	[tilespmem:$0x6800] =	vst v63  }
0x4c: {  	_ =	swait.ge [sflag:s15], $0x400  }
0x4d: {  	[sflag:s15] =	ssyncset.done $0x0  }
0x4e: {  	[sflag:s15] =	ssyncadd.s32 $0xFFFFFC00  }
0x4f: {  	[hbm4b:s10+s17] =	stream.strided.scatter [tilespmem:s23], [sflag:$0x1], $0x400, s18, s17, $0x38;
	[tilespmem:$0x6800] =	vst v63  }
0x50: {  	_ =	swait.ge [sflag:s15], $0x400  }
0x51: {  	[sflag:s15] =	ssyncset.done $0x0  }
0x52: {  	[sflag:s15] =	ssyncadd.s32 $0xFFFFFC00  }
0x53: {  	[hbm4b:s11+s17] =	stream.strided.scatter [tilespmem:s24], [sflag:$0x1], $0x400, s18, s17, $0x38;
	[tilespmem:$0x6800] =	vst v63  }
0x54: {  	_ =	swait.ge [sflag:s15], $0x400  }
0x55: {  	[sflag:s15] =	ssyncset.done $0x0  }
0x56: {  	[sflag:s15] =	ssyncadd.s32 $0xFFFFFC00  }
0x57: {  	[hbm4b:s12+s17] =	stream.strided.scatter [tilespmem:s25], [sflag:$0x1], $0x400, s18, s17, $0x38;
	[tilespmem:$0x6800] =	vst v63  }
0x58: {  	_ =	swait.ge [sflag:s15], $0x400  }
0x59: {  	[sflag:s15] =	ssyncset.done $0x0  }
0x5a: {  	[sflag:s15] =	ssyncadd.s32 $0xFFFFFC00  }
0x5b: {  	[hbm4b:s13+s17] =	stream.strided.scatter [tilespmem:s26], [sflag:$0x1], $0x400, s18, s17, $0x38;
	[tilespmem:$0x6800] =	vst v63  }
0x5c: {  	s2 =	sadd.s32 $0x1, s2;
	_ =	swait.ge [sflag:s15], $0x400  }
0x5d: {  	p0 =	sne.s32 s2, s5;
	[sflag:s15] =	ssyncset.done $0x0  }
.Ltmp2:
0x5e: {  	[sflag:s15] =	ssyncadd.s32 $0xFFFFFC00;
	(pc) =	sbr.rel @p0 .LBB2_1-.Ltmp2, $4  }
0x5f: {  	[hbm4b:s14+s17] =	stream.strided.scatter [tilespmem:s28], [sflag:$0x1], $0x400, s18, s17, $0x38;
	[tilespmem:$0x6800] =	vst v63  }
0x60: {  	_ =	swait.ge [sflag:s15], $0x400  }
0x61: {  	[sflag:s15] =	ssyncset.done $0x0  }
0x62: {  	[sflag:s15] =	ssyncadd.s32 $0xFFFFFC00  }
0x63: {  	_ =	sfence.sel $0x180000  }
0x64: {  	[bflag:$0x0] =	sbarrier.arrive $0xFFFF  }
0x65: {  	_ =	strace $0x90000047  }
0x66: {  	[bflag:$0x2] =	sbarrier.arrive $0xFFFF  }
0x67: {  	p0 =	sne.s32 s1, $0x0;
	s0 =	rddreg [dreg:$0x1]  }
0x68: {  	s0 =	sadd.s32 @!p0 $0x100000, s0  }
0x69: {  	[sflag:s0] =	ssyncadd.tile.s32 @!p0 $0x1;
	_ =	shalt  }
.Lfunc_end2:
_tile_overlayer_lowered:
.L_overlay_start_2:
0x6a: {  	(tag) =	ssettag $0x2  }
0x6b: {  	s0 =	rddreg [dreg:$0x0];
	s2 =	stileid.u32  }
0x6c: {  	s1 =	rddreg [dreg:$0x1];
	p0 =	sne.s32 s2, $0x0  }
0x6d: {  	s3 =	rddreg [dreg:$0x2];
	[bflag:$0x3] =	sbarrier.arrive $0xFFFF;
	s2 =	simm.s32 @!p0 $0x1C01  }
0x6e: {  	[timem:s3], [sflag:s2] =	dma.local @!p0 [hbm:s0], s1  }
0x6f: {  	s0 =	simm.s32 @!p0 $0x1  }
0x70: {  	_ =	swait.ge @!p0 [sflag:s0], s1  }
0x71: {  	s1 =	ssub.s32 @!p0 $0x0, s1;
	[sflag:s0] =	ssyncset.done @!p0 $0x0  }
0x72: {  	[sflag:s0] =	ssyncadd.s32 @!p0 s1  }
0x73: {  	[bflag:$0x3] =	sbarrier.arrive $0xFFFF  }
0x74: {  	_ =	shalt  }

</sc_bundles>
